<compile_context>
chip_gen: v7x
topology: tpu7x:2x2x1
jax: 0.10.2.dev20260603
libtpu: 0.0.44.dev20260713+nightly
codegen_flags: <defaults>
</compile_context>

<pallas_src>
import functools

import jax
import jax.numpy as jnp
from jax import lax
from jax.experimental import pallas as pl
from jax.experimental.pallas import tpu as pltpu
from jax.experimental.pallas import tpu_sc as plsc

_MAXZ = 84
_NP = 24
_N = 1048576
_NC, _NS, _L = 2, 16, 16
_NW = _NC * _NS
_APW = _N // _NW
_CHUNK = 2048
_NCHUNK = _APW // _CHUNK
_TBL = _NP * _MAXZ


def _build_sc_gather():
    mesh = plsc.VectorSubcoreMesh(
        core_axis_name="c", subcore_axis_name="s",
        num_cores=_NC, num_subcores=_NS)

    @functools.partial(
        pl.kernel,
        out_type=jax.ShapeDtypeStruct((_NP, _N), jnp.float32),
        mesh=mesh,
        compiler_params=pltpu.CompilerParams(
            needs_layout_passes=False, use_tc_tiling_on_sc=True),
        scratch_types=[
            pltpu.VMEM((_TBL,), jnp.float32),
            pltpu.VMEM((_CHUNK,), jnp.int32),
            pltpu.VMEM((_CHUNK,), jnp.int32),
            pltpu.VMEM((_NP, _CHUNK), jnp.float32),
            pltpu.VMEM((_NP, _CHUNK), jnp.float32),
            pltpu.SemaphoreType.DMA,
            pltpu.SemaphoreType.DMA,
            pltpu.SemaphoreType.DMA,
            pltpu.SemaphoreType.DMA,
        ],
    )
    def sc_gather(z_hbm, pt_hbm, out_hbm, pt_v, z_a, z_b, blk_a, blk_b,
                  osem_a, osem_b, zsem_a, zsem_b):
        wid = lax.axis_index("s") * _NC + lax.axis_index("c")
        atom0 = wid * _APW
        pltpu.sync_copy(pt_hbm, pt_v)
        pltpu.async_copy(z_hbm.at[pl.ds(atom0, _CHUNK)], z_a, zsem_a)

        def compute(blk, z_v):
            @plsc.parallel_loop(0, _CHUNK // _L, unroll=1)
            def group_body(a):
                aoff = a * _L
                zvec = z_v[pl.ds(aoff, _L)]
                for j in range(_NP):
                    vals = plsc.load_gather(pt_v, [zvec + (_MAXZ * j)])
                    blk[j, pl.ds(aoff, _L)] = vals

        def pipe_body(g2, carry):
            for blk, osem, z_cur, zsem_cur, z_nxt, zsem_nxt, cidx in (
                    (blk_a, osem_a, z_a, zsem_a, z_b, zsem_b, 2 * g2),
                    (blk_b, osem_b, z_b, zsem_b, z_a, zsem_a, 2 * g2 + 1)):
                @pl.when(cidx + 1 < _NCHUNK)
                def _prefetch():
                    pltpu.async_copy(
                        z_hbm.at[pl.ds(atom0 + (cidx + 1) * _CHUNK, _CHUNK)],
                        z_nxt, zsem_nxt)

                pltpu.make_async_copy(
                    z_hbm.at[pl.ds(atom0, _CHUNK)], z_cur, zsem_cur).wait()

                @pl.when(g2 > 0)
                def _wait():
                    pltpu.make_async_copy(
                        blk, out_hbm.at[:, pl.ds(atom0, _CHUNK)], osem).wait()

                compute(blk, z_cur)
                pltpu.async_copy(
                    blk, out_hbm.at[:, pl.ds(atom0 + cidx * _CHUNK, _CHUNK)],
                    osem)
            return carry

        lax.fori_loop(0, _NCHUNK // 2, pipe_body, 0)
        pltpu.make_async_copy(
            blk_a, out_hbm.at[:, pl.ds(atom0, _CHUNK)], osem_a).wait()
        pltpu.make_async_copy(
            blk_b, out_hbm.at[:, pl.ds(atom0, _CHUNK)], osem_b).wait()

    return sc_gather


_SC_GATHER = _build_sc_gather()


def kernel(Z, p, alpha, chi):
    z32 = Z.astype(jnp.int32)
    pt = p.T.reshape(_TBL)
    outT = _SC_GATHER(z32, pt)
    return (outT.T, alpha, chi)

# --- scband reference (transcript-rebuilt; emitter-appended) ---
"""Pipeline reference for scband-pack-parameters-9801115369545 (READ-ONLY COPY).

The authoritative reference and input builder live on the scoring server;
editing this copy changes nothing except your own understanding.
"""

import jax, jax.numpy as jnp
import numpy as np

MAX_Z = 84   # atomic numbers supported by AM1 table
NRP = 24     # number of required AM1 parameters (len(parameterlist['AM1']), learned=[])
N_ATOMS = 1048576


def setup_inputs(seed: int = 0) -> dict:
    key = jax.random.key(seed)
    k1, k2, k3, k4 = jax.random.split(key, 4)
    # atomic numbers of every atom in the batch (0 reserved / padding excluded -> [1, MAX_Z))
    Z = jax.random.randint(k1, (N_ATOMS,), 1, MAX_Z).astype(jnp.int64)
    # learned/loaded per-element parameter table: self.p with shape [max_element+1, nrp]
    p = jax.random.normal(k2, (MAX_Z, NRP), dtype=jnp.float32)
    # pairwise core-core correction tables from PWCCT
    alpha = jax.random.normal(k3, (MAX_Z, MAX_Z), dtype=jnp.float32)
    chi = jax.random.normal(k4, (MAX_Z, MAX_Z), dtype=jnp.float32)
    return {"Z": Z, "p": p, "alpha": alpha, "chi": chi}


def reference(Z, p, alpha, chi):
    # Original forward:
    #   for i in range(nrp): learned_params[required_list[i]] = self.p[Z, i]
    #   return (learned_params, self.alpha, self.chi)
    # Gathering all columns at once: gathered[:, i] == p[Z, i]
    gathered = jnp.take(p, Z, axis=0)  # [N_ATOMS, NRP]
    return (gathered, alpha, chi)

if __name__ == "__main__":
    import jax
    _d = setup_inputs()
    print(jax.jit(kernel)(*tuple(_d.values())))

</pallas_src>

<mosaic_0001>
#map = affine_map<(d0, d1) -> (0)>
#map1 = affine_map<(d0, d1) -> (0, 0)>
module attributes {stable_mosaic.version = 14 : i64} {
  func.func @sc_gather(%arg0: i32, %arg1: i32, %arg2: memref<1048576xi32, #tpu.memory_space<hbm>>, %arg3: memref<2016xf32, #tpu.memory_space<hbm>>, %arg4: memref<24x1048576xf32, #tpu.memory_space<hbm>>, %arg5: memref<2016xf32, #tpu.memory_space<vmem>>, %arg6: memref<2048xi32, #tpu.memory_space<vmem>>, %arg7: memref<2048xi32, #tpu.memory_space<vmem>>, %arg8: memref<24x2048xf32, #tpu.memory_space<vmem>>, %arg9: memref<24x2048xf32, #tpu.memory_space<vmem>>, %arg10: memref<!tpu.dma_semaphore, #tpu.memory_space<semaphore_mem>>, %arg11: memref<!tpu.dma_semaphore, #tpu.memory_space<semaphore_mem>>, %arg12: memref<!tpu.dma_semaphore, #tpu.memory_space<semaphore_mem>>, %arg13: memref<!tpu.dma_semaphore, #tpu.memory_space<semaphore_mem>>) attributes {dimension_semantics = [#tpu.dimension_semantics<core_parallel>, #tpu.dimension_semantics<subcore_parallel>], iteration_bounds = array<i64: 2, 16>, scalar_prefetch = 0 : i64, scratch_operands = 9 : i64, tpu.core_type = #tpu.core_type<sc_vector_subcore>, window_params = [{transform_indices = #map}, {transform_indices = #map}, {transform_indices = #map1}]} {
    %mul3A = arith.constant 2 : i32
    %mul3A_0 = arith.muli %arg1, %mul3A : i32
    %add3A = arith.addi %mul3A_0, %arg0 : i32
    %mul3A_1 = arith.constant 32768 : i32
    %mul3A_2 = arith.muli %add3A, %mul3A_1 : i32
    "tpu.region"() ({
      %run_scoped3A = tpu.sem_alloc : memref<!tpu.dma_semaphore, #tpu.memory_space<semaphore_mem>>
      tpu.enqueue_dma source(%arg3 : memref<2016xf32, #tpu.memory_space<hbm>>) target(%arg5 : memref<2016xf32, #tpu.memory_space<vmem>>) target_semaphore(%run_scoped3A : memref<!tpu.dma_semaphore, #tpu.memory_space<semaphore_mem>>)
      tpu.wait_dma2 semaphore(%run_scoped3A : memref<!tpu.dma_semaphore, #tpu.memory_space<semaphore_mem>>) src(%arg3 : memref<2016xf32, #tpu.memory_space<hbm>>) dst(%arg5 : memref<2016xf32, #tpu.memory_space<vmem>>)
      tpu.yield
    }) : () -> ()
    %dma_start3A = tpu.memref_slice %arg2[%mul3A_2] : memref<1048576xi32, #tpu.memory_space<hbm>> -> memref<2048xi32, #tpu.memory_space<hbm>>
    %dma_start3A_3 = tpu.memref_slice %arg2[%mul3A_2] : memref<1048576xi32, #tpu.memory_space<hbm>> -> memref<2048xi32, #tpu.memory_space<hbm>>
    tpu.enqueue_dma source(%dma_start3A_3 : memref<2048xi32, #tpu.memory_space<hbm>>) target(%arg6 : memref<2048xi32, #tpu.memory_space<vmem>>) target_semaphore(%arg12 : memref<!tpu.dma_semaphore, #tpu.memory_space<semaphore_mem>>)
    %scan3A = arith.constant 0 : i32
    %scan3A_4 = arith.constant 0 : i32
    %scan3A_5 = arith.constant 8 : i32
    %scan3A_6 = arith.addi %scan3A_4, %scan3A_5 : i32
    %scan3A_7 = arith.constant 1 : i32
    scf.for %scan3A_16 = %scan3A_4 to %scan3A_6 step %scan3A_7  : i32 {
      %mul3A_17 = arith.constant 2 : i32
      %mul3A_18 = arith.muli %mul3A_17, %scan3A_16 : i32
      %mul3A_19 = arith.constant 2 : i32
      %mul3A_20 = arith.muli %mul3A_19, %scan3A_16 : i32
      %add3A_21 = arith.constant 1 : i32
      %add3A_22 = arith.addi %mul3A_20, %add3A_21 : i32
      %add3A_23 = arith.constant 1 : i32
      %add3A_24 = arith.addi %mul3A_18, %add3A_23 : i32
      %lt3A = arith.constant 16 : i32
      %lt3A_25 = arith.cmpi slt, %add3A_24, %lt3A : i32
      %convert_element_type3A = arith.extui %lt3A_25 : i1 to i32
      %cond3A = arith.constant 0 : i32
      %cond3A_26 = arith.cmpi ne, %convert_element_type3A, %cond3A : i32
      scf.if %cond3A_26 {
        %add3A_66 = arith.constant 1 : i32
        %add3A_67 = arith.addi %mul3A_18, %add3A_66 : i32
        %mul3A_68 = arith.constant 2048 : i32
        %mul3A_69 = arith.muli %add3A_67, %mul3A_68 : i32
        %add3A_70 = arith.addi %mul3A_2, %mul3A_69 : i32
        %dma_start3A_71 = tpu.memref_slice %arg2[%add3A_70] : memref<1048576xi32, #tpu.memory_space<hbm>> -> memref<2048xi32, #tpu.memory_space<hbm>>
        %dma_start3A_72 = tpu.memref_slice %arg2[%add3A_70] : memref<1048576xi32, #tpu.memory_space<hbm>> -> memref<2048xi32, #tpu.memory_space<hbm>>
        tpu.enqueue_dma source(%dma_start3A_72 : memref<2048xi32, #tpu.memory_space<hbm>>) target(%arg7 : memref<2048xi32, #tpu.memory_space<vmem>>) target_semaphore(%arg13 : memref<!tpu.dma_semaphore, #tpu.memory_space<semaphore_mem>>)
      } else {
      }
      %dma_wait3A_27 = tpu.memref_slice %arg2[%mul3A_2] : memref<1048576xi32, #tpu.memory_space<hbm>> -> memref<2048xi32, #tpu.memory_space<hbm>>
      %dma_wait3A_28 = tpu.memref_slice %arg2[%mul3A_2] : memref<1048576xi32, #tpu.memory_space<hbm>> -> memref<2048xi32, #tpu.memory_space<hbm>>
      tpu.wait_dma2 semaphore(%arg12 : memref<!tpu.dma_semaphore, #tpu.memory_space<semaphore_mem>>) src(%dma_wait3A_28 : memref<2048xi32, #tpu.memory_space<hbm>>) dst(%arg6 : memref<2048xi32, #tpu.memory_space<vmem>>)
      %gt3A = arith.constant 0 : i32
      %gt3A_29 = arith.cmpi sgt, %scan3A_16, %gt3A : i32
      %convert_element_type3A_30 = arith.extui %gt3A_29 : i1 to i32
      %cond3A_31 = arith.constant 0 : i32
      %cond3A_32 = arith.cmpi ne, %convert_element_type3A_30, %cond3A_31 : i32
      scf.if %cond3A_32 {
        %dma_wait3A_66 = arith.constant 0 : i32
        %dma_wait3A_67 = tpu.memref_slice %arg4[%dma_wait3A_66, %mul3A_2] : memref<24x1048576xf32, #tpu.memory_space<hbm>> -> memref<24x2048xf32, #tpu.memory_space<hbm>>
        %dma_wait3A_68 = arith.constant 0 : i32
        %dma_wait3A_69 = tpu.memref_slice %arg4[%dma_wait3A_68, %mul3A_2] : memref<24x1048576xf32, #tpu.memory_space<hbm>> -> memref<24x2048xf32, #tpu.memory_space<hbm>>
        tpu.wait_dma2 semaphore(%arg10 : memref<!tpu.dma_semaphore, #tpu.memory_space<semaphore_mem>>) src(%arg8 : memref<24x2048xf32, #tpu.memory_space<vmem>>) dst(%dma_wait3A_69 : memref<24x2048xf32, #tpu.memory_space<hbm>>)
      } else {
      }
      %parallel_loop3A = arith.constant 0 : i32
      %parallel_loop3A_33 = arith.constant 128 : i32
      %parallel_loop3A_34 = arith.constant 1 : i32
      scf.for %parallel_loop3A_66 = %parallel_loop3A to %parallel_loop3A_33 step %parallel_loop3A_34  : i32 {
        %parallel_loop3A_67 = arith.constant 16 : i32
        %parallel_loop3A_68 = arith.muli %parallel_loop3A_66, %parallel_loop3A_67 : i32
        %parallel_loop3A_69 = arith.index_cast %parallel_loop3A_68 : i32 to index
        %parallel_loop3A_70 = tpu.vector_load %arg6[%parallel_loop3A_69] {strides = array<i32>} : memref<2048xi32, #tpu.memory_space<vmem>>, vector<16xi32>,
        %parallel_loop3A_71 = arith.constant 0 : i32
        %parallel_loop3A_72 = vector.broadcast %parallel_loop3A_71 : i32 to vector<16xi32>
        %parallel_loop3A_73 = arith.addi %parallel_loop3A_70, %parallel_loop3A_72 : vector<16xi32>
        %parallel_loop3A_74 = tpu.vector_load_idx %arg5[%parallel_loop3A_73] : memref<2016xf32, #tpu.memory_space<vmem>>[vector<16xi32>], vector<16xf32>,
        %parallel_loop3A_75 = arith.constant 0 : i32
        %parallel_loop3A_76 = arith.index_cast %parallel_loop3A_75 : i32 to index
        %parallel_loop3A_77 = arith.index_cast %parallel_loop3A_68 : i32 to index
        %parallel_loop3A_78 = tpu.vector_load %arg8[%parallel_loop3A_76, %parallel_loop3A_77] {strides = array<i32>} : memref<24x2048xf32, #tpu.memory_space<vmem>>, vector<16xf32>,
        tpu.vector_store %arg8[%parallel_loop3A_76, %parallel_loop3A_77], %parallel_loop3A_74 {strides = array<i32>} : memref<24x2048xf32, #tpu.memory_space<vmem>>, vector<16xf32>,
        %parallel_loop3A_79 = arith.constant 84 : i32
        %parallel_loop3A_80 = vector.broadcast %parallel_loop3A_79 : i32 to vector<16xi32>
        %parallel_loop3A_81 = arith.addi %parallel_loop3A_70, %parallel_loop3A_80 : vector<16xi32>
        %parallel_loop3A_82 = tpu.vector_load_idx %arg5[%parallel_loop3A_81] : memref<2016xf32, #tpu.memory_space<vmem>>[vector<16xi32>], vector<16xf32>,
        %parallel_loop3A_83 = arith.constant 1 : i32
        %parallel_loop3A_84 = arith.index_cast %parallel_loop3A_83 : i32 to index
        %parallel_loop3A_85 = arith.index_cast %parallel_loop3A_68 : i32 to index
        %parallel_loop3A_86 = tpu.vector_load %arg8[%parallel_loop3A_84, %parallel_loop3A_85] {strides = array<i32>} : memref<24x2048xf32, #tpu.memory_space<vmem>>, vector<16xf32>,
        tpu.vector_store %arg8[%parallel_loop3A_84, %parallel_loop3A_85], %parallel_loop3A_82 {strides = array<i32>} : memref<24x2048xf32, #tpu.memory_space<vmem>>, vector<16xf32>,
        %parallel_loop3A_87 = arith.constant 168 : i32
        %parallel_loop3A_88 = vector.broadcast %parallel_loop3A_87 : i32 to vector<16xi32>
        %parallel_loop3A_89 = arith.addi %parallel_loop3A_70, %parallel_loop3A_88 : vector<16xi32>
        %parallel_loop3A_90 = tpu.vector_load_idx %arg5[%parallel_loop3A_89] : memref<2016xf32, #tpu.memory_space<vmem>>[vector<16xi32>], vector<16xf32>,
        %parallel_loop3A_91 = arith.constant 2 : i32
        %parallel_loop3A_92 = arith.index_cast %parallel_loop3A_91 : i32 to index
        %parallel_loop3A_93 = arith.index_cast %parallel_loop3A_68 : i32 to index
        %parallel_loop3A_94 = tpu.vector_load %arg8[%parallel_loop3A_92, %parallel_loop3A_93] {strides = array<i32>} : memref<24x2048xf32, #tpu.memory_space<vmem>>, vector<16xf32>,
        tpu.vector_store %arg8[%parallel_loop3A_92, %parallel_loop3A_93], %parallel_loop3A_90 {strides = array<i32>} : memref<24x2048xf32, #tpu.memory_space<vmem>>, vector<16xf32>,
        %parallel_loop3A_95 = arith.constant 252 : i32
        %parallel_loop3A_96 = vector.broadcast %parallel_loop3A_95 : i32 to vector<16xi32>
        %parallel_loop3A_97 = arith.addi %parallel_loop3A_70, %parallel_loop3A_96 : vector<16xi32>
        %parallel_loop3A_98 = tpu.vector_load_idx %arg5[%parallel_loop3A_97] : memref<2016xf32, #tpu.memory_space<vmem>>[vector<16xi32>], vector<16xf32>,
        %parallel_loop3A_99 = arith.constant 3 : i32
        %parallel_loop3A_100 = arith.index_cast %parallel_loop3A_99 : i32 to index
        %parallel_loop3A_101 = arith.index_cast %parallel_loop3A_68 : i32 to index
        %parallel_loop3A_102 = tpu.vector_load %arg8[%parallel_loop3A_100, %parallel_loop3A_101] {strides = array<i32>} : memref<24x2048xf32, #tpu.memory_space<vmem>>, vector<16xf32>,
        tpu.vector_store %arg8[%parallel_loop3A_100, %parallel_loop3A_101], %parallel_loop3A_98 {strides = array<i32>} : memref<24x2048xf32, #tpu.memory_space<vmem>>, vector<16xf32>,
        %parallel_loop3A_103 = arith.constant 336 : i32
        %parallel_loop3A_104 = vector.broadcast %parallel_loop3A_103 : i32 to vector<16xi32>
        %parallel_loop3A_105 = arith.addi %parallel_loop3A_70, %parallel_loop3A_104 : vector<16xi32>
        %parallel_loop3A_106 = tpu.vector_load_idx %arg5[%parallel_loop3A_105] : memref<2016xf32, #tpu.memory_space<vmem>>[vector<16xi32>], vector<16xf32>,
        %parallel_loop3A_107 = arith.constant 4 : i32
        %parallel_loop3A_108 = arith.index_cast %parallel_loop3A_107 : i32 to index
        %parallel_loop3A_109 = arith.index_cast %parallel_loop3A_68 : i32 to index
        %parallel_loop3A_110 = tpu.vector_load %arg8[%parallel_loop3A_108, %parallel_loop3A_109] {strides = array<i32>} : memref<24x2048xf32, #tpu.memory_space<vmem>>, vector<16xf32>,
        tpu.vector_store %arg8[%parallel_loop3A_108, %parallel_loop3A_109], %parallel_loop3A_106 {strides = array<i32>} : memref<24x2048xf32, #tpu.memory_space<vmem>>, vector<16xf32>,
        %parallel_loop3A_111 = arith.constant 420 : i32
        %parallel_loop3A_112 = vector.broadcast %parallel_loop3A_111 : i32 to vector<16xi32>
        %parallel_loop3A_113 = arith.addi %parallel_loop3A_70, %parallel_loop3A_112 : vector<16xi32>
        %parallel_loop3A_114 = tpu.vector_load_idx %arg5[%parallel_loop3A_113] : memref<2016xf32, #tpu.memory_space<vmem>>[vector<16xi32>], vector<16xf32>,
        %parallel_loop3A_115 = arith.constant 5 : i32
        %parallel_loop3A_116 = arith.index_cast %parallel_loop3A_115 : i32 to index
        %parallel_loop3A_117 = arith.index_cast %parallel_loop3A_68 : i32 to index
        %parallel_loop3A_118 = tpu.vector_load %arg8[%parallel_loop3A_116, %parallel_loop3A_117] {strides = array<i32>} : memref<24x2048xf32, #tpu.memory_space<vmem>>, vector<16xf32>,
        tpu.vector_store %arg8[%parallel_loop3A_116, %parallel_loop3A_117], %parallel_loop3A_114 {strides = array<i32>} : memref<24x2048xf32, #tpu.memory_space<vmem>>, vector<16xf32>,
        %parallel_loop3A_119 = arith.constant 504 : i32
        %parallel_loop3A_120 = vector.broadcast %parallel_loop3A_119 : i32 to vector<16xi32>
        %parallel_loop3A_121 = arith.addi %parallel_loop3A_70, %parallel_loop3A_120 : vector<16xi32>
        %parallel_loop3A_122 = tpu.vector_load_idx %arg5[%parallel_loop3A_121] : memref<2016xf32, #tpu.memory_space<vmem>>[vector<16xi32>], vector<16xf32>,
        %parallel_loop3A_123 = arith.constant 6 : i32
        %parallel_loop3A_124 = arith.index_cast %parallel_loop3A_123 : i32 to index
        %parallel_loop3A_125 = arith.index_cast %parallel_loop3A_68 : i32 to index
        %parallel_loop3A_126 = tpu.vector_load %arg8[%parallel_loop3A_124, %parallel_loop3A_125] {strides = array<i32>} : memref<24x2048xf32, #tpu.memory_space<vmem>>, vector<16xf32>,
        tpu.vector_store %arg8[%parallel_loop3A_124, %parallel_loop3A_125], %parallel_loop3A_122 {strides = array<i32>} : memref<24x2048xf32, #tpu.memory_space<vmem>>, vector<16xf32>,
        %parallel_loop3A_127 = arith.constant 588 : i32
        %parallel_loop3A_128 = vector.broadcast %parallel_loop3A_127 : i32 to vector<16xi32>
        %parallel_loop3A_129 = arith.addi %parallel_loop3A_70, %parallel_loop3A_128 : vector<16xi32>
        %parallel_loop3A_130 = tpu.vector_load_idx %arg5[%parallel_loop3A_129] : memref<2016xf32, #tpu.memory_space<vmem>>[vector<16xi32>], vector<16xf32>,
        %parallel_loop3A_131 = arith.constant 7 : i32
        %parallel_loop3A_132 = arith.index_cast %parallel_loop3A_131 : i32 to index
        %parallel_loop3A_133 = arith.index_cast %parallel_loop3A_68 : i32 to index
        %parallel_loop3A_134 = tpu.vector_load %arg8[%parallel_loop3A_132, %parallel_loop3A_133] {strides = array<i32>} : memref<24x2048xf32, #tpu.memory_space<vmem>>, vector<16xf32>,
        tpu.vector_store %arg8[%parallel_loop3A_132, %parallel_loop3A_133], %parallel_loop3A_130 {strides = array<i32>} : memref<24x2048xf32, #tpu.memory_space<vmem>>, vector<16xf32>,
        %parallel_loop3A_135 = arith.constant 672 : i32
        %parallel_loop3A_136 = vector.broadcast %parallel_loop3A_135 : i32 to vector<16xi32>
        %parallel_loop3A_137 = arith.addi %parallel_loop3A_70, %parallel_loop3A_136 : vector<16xi32>
        %parallel_loop3A_138 = tpu.vector_load_idx %arg5[%parallel_loop3A_137] : memref<2016xf32, #tpu.memory_space<vmem>>[vector<16xi32>], vector<16xf32>,
        %parallel_loop3A_139 = arith.constant 8 : i32
        %parallel_loop3A_140 = arith.index_cast %parallel_loop3A_139 : i32 to index
        %parallel_loop3A_141 = arith.index_cast %parallel_loop3A_68 : i32 to index
        %parallel_loop3A_142 = tpu.vector_load %arg8[%parallel_loop3A_140, %parallel_loop3A_141] {strides = array<i32>} : memref<24x2048xf32, #tpu.memory_space<vmem>>, vector<16xf32>,
        tpu.vector_store %arg8[%parallel_loop3A_140, %parallel_loop3A_141], %parallel_loop3A_138 {strides = array<i32>} : memref<24x2048xf32, #tpu.memory_space<vmem>>, vector<16xf32>,
        %parallel_loop3A_143 = arith.constant 756 : i32
        %parallel_loop3A_144 = vector.broadcast %parallel_loop3A_143 : i32 to vector<16xi32>
        %parallel_loop3A_145 = arith.addi %parallel_loop3A_70, %parallel_loop3A_144 : vector<16xi32>
        %parallel_loop3A_146 = tpu.vector_load_idx %arg5[%parallel_loop3A_145] : memref<2016xf32, #tpu.memory_space<vmem>>[vector<16xi32>], vector<16xf32>,
        %parallel_loop3A_147 = arith.constant 9 : i32
        %parallel_loop3A_148 = arith.index_cast %parallel_loop3A_147 : i32 to index
        %parallel_loop3A_149 = arith.index_cast %parallel_loop3A_68 : i32 to index
        %parallel_loop3A_150 = tpu.vector_load %arg8[%parallel_loop3A_148, %parallel_loop3A_149] {strides = array<i32>} : memref<24x2048xf32, #tpu.memory_space<vmem>>, vector<16xf32>,
        tpu.vector_store %arg8[%parallel_loop3A_148, %parallel_loop3A_149], %parallel_loop3A_146 {strides = array<i32>} : memref<24x2048xf32, #tpu.memory_space<vmem>>, vector<16xf32>,
        %parallel_loop3A_151 = arith.constant 840 : i32
        %parallel_loop3A_152 = vector.broadcast %parallel_loop3A_151 : i32 to vector<16xi32>
        %parallel_loop3A_153 = arith.addi %parallel_loop3A_70, %parallel_loop3A_152 : vector<16xi32>
        %parallel_loop3A_154 = tpu.vector_load_idx %arg5[%parallel_loop3A_153] : memref<2016xf32, #tpu.memory_space<vmem>>[vector<16xi32>], vector<16xf32>,
        %parallel_loop3A_155 = arith.constant 10 : i32
        %parallel_loop3A_156 = arith.index_cast %parallel_loop3A_155 : i32 to index
        %parallel_loop3A_157 = arith.index_cast %parallel_loop3A_68 : i32 to index
        %parallel_loop3A_158 = tpu.vector_load %arg8[%parallel_loop3A_156, %parallel_loop3A_157] {strides = array<i32>} : memref<24x2048xf32, #tpu.memory_space<vmem>>, vector<16xf32>,
        tpu.vector_store %arg8[%parallel_loop3A_156, %parallel_loop3A_157], %parallel_loop3A_154 {strides = array<i32>} : memref<24x2048xf32, #tpu.memory_space<vmem>>, vector<16xf32>,
        %parallel_loop3A_159 = arith.constant 924 : i32
        %parallel_loop3A_160 = vector.broadcast %parallel_loop3A_159 : i32 to vector<16xi32>
        %parallel_loop3A_161 = arith.addi %parallel_loop3A_70, %parallel_loop3A_160 : vector<16xi32>
        %parallel_loop3A_162 = tpu.vector_load_idx %arg5[%parallel_loop3A_161] : memref<2016xf32, #tpu.memory_space<vmem>>[vector<16xi32>], vector<16xf32>,
        %parallel_loop3A_163 = arith.constant 11 : i32
        %parallel_loop3A_164 = arith.index_cast %parallel_loop3A_163 : i32 to index
        %parallel_loop3A_165 = arith.index_cast %parallel_loop3A_68 : i32 to index
        %parallel_loop3A_166 = tpu.vector_load %arg8[%parallel_loop3A_164, %parallel_loop3A_165] {strides = array<i32>} : memref<24x2048xf32, #tpu.memory_space<vmem>>, vector<16xf32>,
        tpu.vector_store %arg8[%parallel_loop3A_164, %parallel_loop3A_165], %parallel_loop3A_162 {strides = array<i32>} : memref<24x2048xf32, #tpu.memory_space<vmem>>, vector<16xf32>,
        %parallel_loop3A_167 = arith.constant 1008 : i32
        %parallel_loop3A_168 = vector.broadcast %parallel_loop3A_167 : i32 to vector<16xi32>
        %parallel_loop3A_169 = arith.addi %parallel_loop3A_70, %parallel_loop3A_168 : vector<16xi32>
        %parallel_loop3A_170 = tpu.vector_load_idx %arg5[%parallel_loop3A_169] : memref<2016xf32, #tpu.memory_space<vmem>>[vector<16xi32>], vector<16xf32>,
        %parallel_loop3A_171 = arith.constant 12 : i32
        %parallel_loop3A_172 = arith.index_cast %parallel_loop3A_171 : i32 to index
        %parallel_loop3A_173 = arith.index_cast %parallel_loop3A_68 : i32 to index
        %parallel_loop3A_174 = tpu.vector_load %arg8[%parallel_loop3A_172, %parallel_loop3A_173] {strides = array<i32>} : memref<24x2048xf32, #tpu.memory_space<vmem>>, vector<16xf32>,
        tpu.vector_store %arg8[%parallel_loop3A_172, %parallel_loop3A_173], %parallel_loop3A_170 {strides = array<i32>} : memref<24x2048xf32, #tpu.memory_space<vmem>>, vector<16xf32>,
        %parallel_loop3A_175 = arith.constant 1092 : i32
        %parallel_loop3A_176 = vector.broadcast %parallel_loop3A_175 : i32 to vector<16xi32>
        %parallel_loop3A_177 = arith.addi %parallel_loop3A_70, %parallel_loop3A_176 : vector<16xi32>
        %parallel_loop3A_178 = tpu.vector_load_idx %arg5[%parallel_loop3A_177] : memref<2016xf32, #tpu.memory_space<vmem>>[vector<16xi32>], vector<16xf32>,
        %parallel_loop3A_179 = arith.constant 13 : i32
        %parallel_loop3A_180 = arith.index_cast %parallel_loop3A_179 : i32 to index
        %parallel_loop3A_181 = arith.index_cast %parallel_loop3A_68 : i32 to index
        %parallel_loop3A_182 = tpu.vector_load %arg8[%parallel_loop3A_180, %parallel_loop3A_181] {strides = array<i32>} : memref<24x2048xf32, #tpu.memory_space<vmem>>, vector<16xf32>,
        tpu.vector_store %arg8[%parallel_loop3A_180, %parallel_loop3A_181], %parallel_loop3A_178 {strides = array<i32>} : memref<24x2048xf32, #tpu.memory_space<vmem>>, vector<16xf32>,
        %parallel_loop3A_183 = arith.constant 1176 : i32
        %parallel_loop3A_184 = vector.broadcast %parallel_loop3A_183 : i32 to vector<16xi32>
        %parallel_loop3A_185 = arith.addi %parallel_loop3A_70, %parallel_loop3A_184 : vector<16xi32>
        %parallel_loop3A_186 = tpu.vector_load_idx %arg5[%parallel_loop3A_185] : memref<2016xf32, #tpu.memory_space<vmem>>[vector<16xi32>], vector<16xf32>,
        %parallel_loop3A_187 = arith.constant 14 : i32
        %parallel_loop3A_188 = arith.index_cast %parallel_loop3A_187 : i32 to index
        %parallel_loop3A_189 = arith.index_cast %parallel_loop3A_68 : i32 to index
        %parallel_loop3A_190 = tpu.vector_load %arg8[%parallel_loop3A_188, %parallel_loop3A_189] {strides = array<i32>} : memref<24x2048xf32, #tpu.memory_space<vmem>>, vector<16xf32>,
        tpu.vector_store %arg8[%parallel_loop3A_188, %parallel_loop3A_189], %parallel_loop3A_186 {strides = array<i32>} : memref<24x2048xf32, #tpu.memory_space<vmem>>, vector<16xf32>,
        %parallel_loop3A_191 = arith.constant 1260 : i32
        %parallel_loop3A_192 = vector.broadcast %parallel_loop3A_191 : i32 to vector<16xi32>
        %parallel_loop3A_193 = arith.addi %parallel_loop3A_70, %parallel_loop3A_192 : vector<16xi32>
        %parallel_loop3A_194 = tpu.vector_load_idx %arg5[%parallel_loop3A_193] : memref<2016xf32, #tpu.memory_space<vmem>>[vector<16xi32>], vector<16xf32>,
        %parallel_loop3A_195 = arith.constant 15 : i32
        %parallel_loop3A_196 = arith.index_cast %parallel_loop3A_195 : i32 to index
        %parallel_loop3A_197 = arith.index_cast %parallel_loop3A_68 : i32 to index
        %parallel_loop3A_198 = tpu.vector_load %arg8[%parallel_loop3A_196, %parallel_loop3A_197] {strides = array<i32>} : memref<24x2048xf32, #tpu.memory_space<vmem>>, vector<16xf32>,
        tpu.vector_store %arg8[%parallel_loop3A_196, %parallel_loop3A_197], %parallel_loop3A_194 {strides = array<i32>} : memref<24x2048xf32, #tpu.memory_space<vmem>>, vector<16xf32>,
        %parallel_loop3A_199 = arith.constant 1344 : i32
        %parallel_loop3A_200 = vector.broadcast %parallel_loop3A_199 : i32 to vector<16xi32>
        %parallel_loop3A_201 = arith.addi %parallel_loop3A_70, %parallel_loop3A_200 : vector<16xi32>
        %parallel_loop3A_202 = tpu.vector_load_idx %arg5[%parallel_loop3A_201] : memref<2016xf32, #tpu.memory_space<vmem>>[vector<16xi32>], vector<16xf32>,
        %parallel_loop3A_203 = arith.constant 16 : i32
        %parallel_loop3A_204 = arith.index_cast %parallel_loop3A_203 : i32 to index
        %parallel_loop3A_205 = arith.index_cast %parallel_loop3A_68 : i32 to index
        %parallel_loop3A_206 = tpu.vector_load %arg8[%parallel_loop3A_204, %parallel_loop3A_205] {strides = array<i32>} : memref<24x2048xf32, #tpu.memory_space<vmem>>, vector<16xf32>,
        tpu.vector_store %arg8[%parallel_loop3A_204, %parallel_loop3A_205], %parallel_loop3A_202 {strides = array<i32>} : memref<24x2048xf32, #tpu.memory_space<vmem>>, vector<16xf32>,
        %parallel_loop3A_207 = arith.constant 1428 : i32
        %parallel_loop3A_208 = vector.broadcast %parallel_loop3A_207 : i32 to vector<16xi32>
        %parallel_loop3A_209 = arith.addi %parallel_loop3A_70, %parallel_loop3A_208 : vector<16xi32>
        %parallel_loop3A_210 = tpu.vector_load_idx %arg5[%parallel_loop3A_209] : memref<2016xf32, #tpu.memory_space<vmem>>[vector<16xi32>], vector<16xf32>,
        %parallel_loop3A_211 = arith.constant 17 : i32
        %parallel_loop3A_212 = arith.index_cast %parallel_loop3A_211 : i32 to index
        %parallel_loop3A_213 = arith.index_cast %parallel_loop3A_68 : i32 to index
        %parallel_loop3A_214 = tpu.vector_load %arg8[%parallel_loop3A_212, %parallel_loop3A_213] {strides = array<i32>} : memref<24x2048xf32, #tpu.memory_space<vmem>>, vector<16xf32>,
        tpu.vector_store %arg8[%parallel_loop3A_212, %parallel_loop3A_213], %parallel_loop3A_210 {strides = array<i32>} : memref<24x2048xf32, #tpu.memory_space<vmem>>, vector<16xf32>,
        %parallel_loop3A_215 = arith.constant 1512 : i32
        %parallel_loop3A_216 = vector.broadcast %parallel_loop3A_215 : i32 to vector<16xi32>
        %parallel_loop3A_217 = arith.addi %parallel_loop3A_70, %parallel_loop3A_216 : vector<16xi32>
        %parallel_loop3A_218 = tpu.vector_load_idx %arg5[%parallel_loop3A_217] : memref<2016xf32, #tpu.memory_space<vmem>>[vector<16xi32>], vector<16xf32>,
        %parallel_loop3A_219 = arith.constant 18 : i32
        %parallel_loop3A_220 = arith.index_cast %parallel_loop3A_219 : i32 to index
        %parallel_loop3A_221 = arith.index_cast %parallel_loop3A_68 : i32 to index
        %parallel_loop3A_222 = tpu.vector_load %arg8[%parallel_loop3A_220, %parallel_loop3A_221] {strides = array<i32>} : memref<24x2048xf32, #tpu.memory_space<vmem>>, vector<16xf32>,
        tpu.vector_store %arg8[%parallel_loop3A_220, %parallel_loop3A_221], %parallel_loop3A_218 {strides = array<i32>} : memref<24x2048xf32, #tpu.memory_space<vmem>>, vector<16xf32>,
        %parallel_loop3A_223 = arith.constant 1596 : i32
        %parallel_loop3A_224 = vector.broadcast %parallel_loop3A_223 : i32 to vector<16xi32>
        %parallel_loop3A_225 = arith.addi %parallel_loop3A_70, %parallel_loop3A_224 : vector<16xi32>
        %parallel_loop3A_226 = tpu.vector_load_idx %arg5[%parallel_loop3A_225] : memref<2016xf32, #tpu.memory_space<vmem>>[vector<16xi32>], vector<16xf32>,
        %parallel_loop3A_227 = arith.constant 19 : i32
        %parallel_loop3A_228 = arith.index_cast %parallel_loop3A_227 : i32 to index
        %parallel_loop3A_229 = arith.index_cast %parallel_loop3A_68 : i32 to index
        %parallel_loop3A_230 = tpu.vector_load %arg8[%parallel_loop3A_228, %parallel_loop3A_229] {strides = array<i32>} : memref<24x2048xf32, #tpu.memory_space<vmem>>, vector<16xf32>,
        tpu.vector_store %arg8[%parallel_loop3A_228, %parallel_loop3A_229], %parallel_loop3A_226 {strides = array<i32>} : memref<24x2048xf32, #tpu.memory_space<vmem>>, vector<16xf32>,
        %parallel_loop3A_231 = arith.constant 1680 : i32
        %parallel_loop3A_232 = vector.broadcast %parallel_loop3A_231 : i32 to vector<16xi32>
        %parallel_loop3A_233 = arith.addi %parallel_loop3A_70, %parallel_loop3A_232 : vector<16xi32>
        %parallel_loop3A_234 = tpu.vector_load_idx %arg5[%parallel_loop3A_233] : memref<2016xf32, #tpu.memory_space<vmem>>[vector<16xi32>], vector<16xf32>,
        %parallel_loop3A_235 = arith.constant 20 : i32
        %parallel_loop3A_236 = arith.index_cast %parallel_loop3A_235 : i32 to index
        %parallel_loop3A_237 = arith.index_cast %parallel_loop3A_68 : i32 to index
        %parallel_loop3A_238 = tpu.vector_load %arg8[%parallel_loop3A_236, %parallel_loop3A_237] {strides = array<i32>} : memref<24x2048xf32, #tpu.memory_space<vmem>>, vector<16xf32>,
        tpu.vector_store %arg8[%parallel_loop3A_236, %parallel_loop3A_237], %parallel_loop3A_234 {strides = array<i32>} : memref<24x2048xf32, #tpu.memory_space<vmem>>, vector<16xf32>,
        %parallel_loop3A_239 = arith.constant 1764 : i32
        %parallel_loop3A_240 = vector.broadcast %parallel_loop3A_239 : i32 to vector<16xi32>
        %parallel_loop3A_241 = arith.addi %parallel_loop3A_70, %parallel_loop3A_240 : vector<16xi32>
        %parallel_loop3A_242 = tpu.vector_load_idx %arg5[%parallel_loop3A_241] : memref<2016xf32, #tpu.memory_space<vmem>>[vector<16xi32>], vector<16xf32>,
        %parallel_loop3A_243 = arith.constant 21 : i32
        %parallel_loop3A_244 = arith.index_cast %parallel_loop3A_243 : i32 to index
        %parallel_loop3A_245 = arith.index_cast %parallel_loop3A_68 : i32 to index
        %parallel_loop3A_246 = tpu.vector_load %arg8[%parallel_loop3A_244, %parallel_loop3A_245] {strides = array<i32>} : memref<24x2048xf32, #tpu.memory_space<vmem>>, vector<16xf32>,
        tpu.vector_store %arg8[%parallel_loop3A_244, %parallel_loop3A_245], %parallel_loop3A_242 {strides = array<i32>} : memref<24x2048xf32, #tpu.memory_space<vmem>>, vector<16xf32>,
        %parallel_loop3A_247 = arith.constant 1848 : i32
        %parallel_loop3A_248 = vector.broadcast %parallel_loop3A_247 : i32 to vector<16xi32>
        %parallel_loop3A_249 = arith.addi %parallel_loop3A_70, %parallel_loop3A_248 : vector<16xi32>
        %parallel_loop3A_250 = tpu.vector_load_idx %arg5[%parallel_loop3A_249] : memref<2016xf32, #tpu.memory_space<vmem>>[vector<16xi32>], vector<16xf32>,
        %parallel_loop3A_251 = arith.constant 22 : i32
        %parallel_loop3A_252 = arith.index_cast %parallel_loop3A_251 : i32 to index
        %parallel_loop3A_253 = arith.index_cast %parallel_loop3A_68 : i32 to index
        %parallel_loop3A_254 = tpu.vector_load %arg8[%parallel_loop3A_252, %parallel_loop3A_253] {strides = array<i32>} : memref<24x2048xf32, #tpu.memory_space<vmem>>, vector<16xf32>,
        tpu.vector_store %arg8[%parallel_loop3A_252, %parallel_loop3A_253], %parallel_loop3A_250 {strides = array<i32>} : memref<24x2048xf32, #tpu.memory_space<vmem>>, vector<16xf32>,
        %parallel_loop3A_255 = arith.constant 1932 : i32
        %parallel_loop3A_256 = vector.broadcast %parallel_loop3A_255 : i32 to vector<16xi32>
        %parallel_loop3A_257 = arith.addi %parallel_loop3A_70, %parallel_loop3A_256 : vector<16xi32>
        %parallel_loop3A_258 = tpu.vector_load_idx %arg5[%parallel_loop3A_257] : memref<2016xf32, #tpu.memory_space<vmem>>[vector<16xi32>], vector<16xf32>,
        %parallel_loop3A_259 = arith.constant 23 : i32
        %parallel_loop3A_260 = arith.index_cast %parallel_loop3A_259 : i32 to index
        %parallel_loop3A_261 = arith.index_cast %parallel_loop3A_68 : i32 to index
        %parallel_loop3A_262 = tpu.vector_load %arg8[%parallel_loop3A_260, %parallel_loop3A_261] {strides = array<i32>} : memref<24x2048xf32, #tpu.memory_space<vmem>>, vector<16xf32>,
        tpu.vector_store %arg8[%parallel_loop3A_260, %parallel_loop3A_261], %parallel_loop3A_258 {strides = array<i32>} : memref<24x2048xf32, #tpu.memory_space<vmem>>, vector<16xf32>,
      } {sc.loop_unroll_factor = 1 : i64, sc.parallel_access}
      %mul3A_35 = arith.constant 2048 : i32
      %mul3A_36 = arith.muli %mul3A_18, %mul3A_35 : i32
      %add3A_37 = arith.addi %mul3A_2, %mul3A_36 : i32
      %dma_start3A_38 = arith.constant 0 : i32
      %dma_start3A_39 = tpu.memref_slice %arg4[%dma_start3A_38, %add3A_37] : memref<24x1048576xf32, #tpu.memory_space<hbm>> -> memref<24x2048xf32, #tpu.memory_space<hbm>>
      %dma_start3A_40 = arith.constant 0 : i32
      %dma_start3A_41 = tpu.memref_slice %arg4[%dma_start3A_40, %add3A_37] : memref<24x1048576xf32, #tpu.memory_space<hbm>> -> memref<24x2048xf32, #tpu.memory_space<hbm>>
      tpu.enqueue_dma source(%arg8 : memref<24x2048xf32, #tpu.memory_space<vmem>>) target(%dma_start3A_41 : memref<24x2048xf32, #tpu.memory_space<hbm>>) target_semaphore(%arg10 : memref<!tpu.dma_semaphore, #tpu.memory_space<semaphore_mem>>)
      %add3A_42 = arith.constant 1 : i32
      %add3A_43 = arith.addi %add3A_22, %add3A_42 : i32
      %lt3A_44 = arith.constant 16 : i32
      %lt3A_45 = arith.cmpi slt, %add3A_43, %lt3A_44 : i32
      %convert_element_type3A_46 = arith.extui %lt3A_45 : i1 to i32
      %cond3A_47 = arith.constant 0 : i32
      %cond3A_48 = arith.cmpi ne, %convert_element_type3A_46, %cond3A_47 : i32
      scf.if %cond3A_48 {
        %add3A_66 = arith.constant 1 : i32
        %add3A_67 = arith.addi %add3A_22, %add3A_66 : i32
        %mul3A_68 = arith.constant 2048 : i32
        %mul3A_69 = arith.muli %add3A_67, %mul3A_68 : i32
        %add3A_70 = arith.addi %mul3A_2, %mul3A_69 : i32
        %dma_start3A_71 = tpu.memref_slice %arg2[%add3A_70] : memref<1048576xi32, #tpu.memory_space<hbm>> -> memref<2048xi32, #tpu.memory_space<hbm>>
        %dma_start3A_72 = tpu.memref_slice %arg2[%add3A_70] : memref<1048576xi32, #tpu.memory_space<hbm>> -> memref<2048xi32, #tpu.memory_space<hbm>>
        tpu.enqueue_dma source(%dma_start3A_72 : memref<2048xi32, #tpu.memory_space<hbm>>) target(%arg6 : memref<2048xi32, #tpu.memory_space<vmem>>) target_semaphore(%arg12 : memref<!tpu.dma_semaphore, #tpu.memory_space<semaphore_mem>>)
      } else {
      }
      %dma_wait3A_49 = tpu.memref_slice %arg2[%mul3A_2] : memref<1048576xi32, #tpu.memory_space<hbm>> -> memref<2048xi32, #tpu.memory_space<hbm>>
      %dma_wait3A_50 = tpu.memref_slice %arg2[%mul3A_2] : memref<1048576xi32, #tpu.memory_space<hbm>> -> memref<2048xi32, #tpu.memory_space<hbm>>
      tpu.wait_dma2 semaphore(%arg13 : memref<!tpu.dma_semaphore, #tpu.memory_space<semaphore_mem>>) src(%dma_wait3A_50 : memref<2048xi32, #tpu.memory_space<hbm>>) dst(%arg7 : memref<2048xi32, #tpu.memory_space<vmem>>)
      %gt3A_51 = arith.constant 0 : i32
      %gt3A_52 = arith.cmpi sgt, %scan3A_16, %gt3A_51 : i32
      %convert_element_type3A_53 = arith.extui %gt3A_52 : i1 to i32
      %cond3A_54 = arith.constant 0 : i32
      %cond3A_55 = arith.cmpi ne, %convert_element_type3A_53, %cond3A_54 : i32
      scf.if %cond3A_55 {
        %dma_wait3A_66 = arith.constant 0 : i32
        %dma_wait3A_67 = tpu.memref_slice %arg4[%dma_wait3A_66, %mul3A_2] : memref<24x1048576xf32, #tpu.memory_space<hbm>> -> memref<24x2048xf32, #tpu.memory_space<hbm>>
        %dma_wait3A_68 = arith.constant 0 : i32
        %dma_wait3A_69 = tpu.memref_slice %arg4[%dma_wait3A_68, %mul3A_2] : memref<24x1048576xf32, #tpu.memory_space<hbm>> -> memref<24x2048xf32, #tpu.memory_space<hbm>>
        tpu.wait_dma2 semaphore(%arg11 : memref<!tpu.dma_semaphore, #tpu.memory_space<semaphore_mem>>) src(%arg9 : memref<24x2048xf32, #tpu.memory_space<vmem>>) dst(%dma_wait3A_69 : memref<24x2048xf32, #tpu.memory_space<hbm>>)
      } else {
      }
      %parallel_loop3A_56 = arith.constant 0 : i32
      %parallel_loop3A_57 = arith.constant 128 : i32
      %parallel_loop3A_58 = arith.constant 1 : i32
      scf.for %parallel_loop3A_66 = %parallel_loop3A_56 to %parallel_loop3A_57 step %parallel_loop3A_58  : i32 {
        %parallel_loop3A_67 = arith.constant 16 : i32
        %parallel_loop3A_68 = arith.muli %parallel_loop3A_66, %parallel_loop3A_67 : i32
        %parallel_loop3A_69 = arith.index_cast %parallel_loop3A_68 : i32 to index
        %parallel_loop3A_70 = tpu.vector_load %arg7[%parallel_loop3A_69] {strides = array<i32>} : memref<2048xi32, #tpu.memory_space<vmem>>, vector<16xi32>,
        %parallel_loop3A_71 = arith.constant 0 : i32
        %parallel_loop3A_72 = vector.broadcast %parallel_loop3A_71 : i32 to vector<16xi32>
        %parallel_loop3A_73 = arith.addi %parallel_loop3A_70, %parallel_loop3A_72 : vector<16xi32>
        %parallel_loop3A_74 = tpu.vector_load_idx %arg5[%parallel_loop3A_73] : memref<2016xf32, #tpu.memory_space<vmem>>[vector<16xi32>], vector<16xf32>,
        %parallel_loop3A_75 = arith.constant 0 : i32
        %parallel_loop3A_76 = arith.index_cast %parallel_loop3A_75 : i32 to index
        %parallel_loop3A_77 = arith.index_cast %parallel_loop3A_68 : i32 to index
        %parallel_loop3A_78 = tpu.vector_load %arg9[%parallel_loop3A_76, %parallel_loop3A_77] {strides = array<i32>} : memref<24x2048xf32, #tpu.memory_space<vmem>>, vector<16xf32>,
        tpu.vector_store %arg9[%parallel_loop3A_76, %parallel_loop3A_77], %parallel_loop3A_74 {strides = array<i32>} : memref<24x2048xf32, #tpu.memory_space<vmem>>, vector<16xf32>,
        %parallel_loop3A_79 = arith.constant 84 : i32
        %parallel_loop3A_80 = vector.broadcast %parallel_loop3A_79 : i32 to vector<16xi32>
        %parallel_loop3A_81 = arith.addi %parallel_loop3A_70, %parallel_loop3A_80 : vector<16xi32>
        %parallel_loop3A_82 = tpu.vector_load_idx %arg5[%parallel_loop3A_81] : memref<2016xf32, #tpu.memory_space<vmem>>[vector<16xi32>], vector<16xf32>,
        %parallel_loop3A_83 = arith.constant 1 : i32
        %parallel_loop3A_84 = arith.index_cast %parallel_loop3A_83 : i32 to index
        %parallel_loop3A_85 = arith.index_cast %parallel_loop3A_68 : i32 to index
        %parallel_loop3A_86 = tpu.vector_load %arg9[%parallel_loop3A_84, %parallel_loop3A_85] {strides = array<i32>} : memref<24x2048xf32, #tpu.memory_space<vmem>>, vector<16xf32>,
        tpu.vector_store %arg9[%parallel_loop3A_84, %parallel_loop3A_85], %parallel_loop3A_82 {strides = array<i32>} : memref<24x2048xf32, #tpu.memory_space<vmem>>, vector<16xf32>,
        %parallel_loop3A_87 = arith.constant 168 : i32
        %parallel_loop3A_88 = vector.broadcast %parallel_loop3A_87 : i32 to vector<16xi32>
        %parallel_loop3A_89 = arith.addi %parallel_loop3A_70, %parallel_loop3A_88 : vector<16xi32>
        %parallel_loop3A_90 = tpu.vector_load_idx %arg5[%parallel_loop3A_89] : memref<2016xf32, #tpu.memory_space<vmem>>[vector<16xi32>], vector<16xf32>,
        %parallel_loop3A_91 = arith.constant 2 : i32
        %parallel_loop3A_92 = arith.index_cast %parallel_loop3A_91 : i32 to index
        %parallel_loop3A_93 = arith.index_cast %parallel_loop3A_68 : i32 to index
        %parallel_loop3A_94 = tpu.vector_load %arg9[%parallel_loop3A_92, %parallel_loop3A_93] {strides = array<i32>} : memref<24x2048xf32, #tpu.memory_space<vmem>>, vector<16xf32>,
        tpu.vector_store %arg9[%parallel_loop3A_92, %parallel_loop3A_93], %parallel_loop3A_90 {strides = array<i32>} : memref<24x2048xf32, #tpu.memory_space<vmem>>, vector<16xf32>,
        %parallel_loop3A_95 = arith.constant 252 : i32
        %parallel_loop3A_96 = vector.broadcast %parallel_loop3A_95 : i32 to vector<16xi32>
        %parallel_loop3A_97 = arith.addi %parallel_loop3A_70, %parallel_loop3A_96 : vector<16xi32>
        %parallel_loop3A_98 = tpu.vector_load_idx %arg5[%parallel_loop3A_97] : memref<2016xf32, #tpu.memory_space<vmem>>[vector<16xi32>], vector<16xf32>,
        %parallel_loop3A_99 = arith.constant 3 : i32
        %parallel_loop3A_100 = arith.index_cast %parallel_loop3A_99 : i32 to index
        %parallel_loop3A_101 = arith.index_cast %parallel_loop3A_68 : i32 to index
        %parallel_loop3A_102 = tpu.vector_load %arg9[%parallel_loop3A_100, %parallel_loop3A_101] {strides = array<i32>} : memref<24x2048xf32, #tpu.memory_space<vmem>>, vector<16xf32>,
        tpu.vector_store %arg9[%parallel_loop3A_100, %parallel_loop3A_101], %parallel_loop3A_98 {strides = array<i32>} : memref<24x2048xf32, #tpu.memory_space<vmem>>, vector<16xf32>,
        %parallel_loop3A_103 = arith.constant 336 : i32
        %parallel_loop3A_104 = vector.broadcast %parallel_loop3A_103 : i32 to vector<16xi32>
        %parallel_loop3A_105 = arith.addi %parallel_loop3A_70, %parallel_loop3A_104 : vector<16xi32>
        %parallel_loop3A_106 = tpu.vector_load_idx %arg5[%parallel_loop3A_105] : memref<2016xf32, #tpu.memory_space<vmem>>[vector<16xi32>], vector<16xf32>,
        %parallel_loop3A_107 = arith.constant 4 : i32
        %parallel_loop3A_108 = arith.index_cast %parallel_loop3A_107 : i32 to index
        %parallel_loop3A_109 = arith.index_cast %parallel_loop3A_68 : i32 to index
        %parallel_loop3A_110 = tpu.vector_load %arg9[%parallel_loop3A_108, %parallel_loop3A_109] {strides = array<i32>} : memref<24x2048xf32, #tpu.memory_space<vmem>>, vector<16xf32>,
        tpu.vector_store %arg9[%parallel_loop3A_108, %parallel_loop3A_109], %parallel_loop3A_106 {strides = array<i32>} : memref<24x2048xf32, #tpu.memory_space<vmem>>, vector<16xf32>,
        %parallel_loop3A_111 = arith.constant 420 : i32
        %parallel_loop3A_112 = vector.broadcast %parallel_loop3A_111 : i32 to vector<16xi32>
        %parallel_loop3A_113 = arith.addi %parallel_loop3A_70, %parallel_loop3A_112 : vector<16xi32>
        %parallel_loop3A_114 = tpu.vector_load_idx %arg5[%parallel_loop3A_113] : memref<2016xf32, #tpu.memory_space<vmem>>[vector<16xi32>], vector<16xf32>,
        %parallel_loop3A_115 = arith.constant 5 : i32
        %parallel_loop3A_116 = arith.index_cast %parallel_loop3A_115 : i32 to index
        %parallel_loop3A_117 = arith.index_cast %parallel_loop3A_68 : i32 to index
        %parallel_loop3A_118 = tpu.vector_load %arg9[%parallel_loop3A_116, %parallel_loop3A_117] {strides = array<i32>} : memref<24x2048xf32, #tpu.memory_space<vmem>>, vector<16xf32>,
        tpu.vector_store %arg9[%parallel_loop3A_116, %parallel_loop3A_117], %parallel_loop3A_114 {strides = array<i32>} : memref<24x2048xf32, #tpu.memory_space<vmem>>, vector<16xf32>,
        %parallel_loop3A_119 = arith.constant 504 : i32
        %parallel_loop3A_120 = vector.broadcast %parallel_loop3A_119 : i32 to vector<16xi32>
        %parallel_loop3A_121 = arith.addi %parallel_loop3A_70, %parallel_loop3A_120 : vector<16xi32>
        %parallel_loop3A_122 = tpu.vector_load_idx %arg5[%parallel_loop3A_121] : memref<2016xf32, #tpu.memory_space<vmem>>[vector<16xi32>], vector<16xf32>,
        %parallel_loop3A_123 = arith.constant 6 : i32
        %parallel_loop3A_124 = arith.index_cast %parallel_loop3A_123 : i32 to index
        %parallel_loop3A_125 = arith.index_cast %parallel_loop3A_68 : i32 to index
        %parallel_loop3A_126 = tpu.vector_load %arg9[%parallel_loop3A_124, %parallel_loop3A_125] {strides = array<i32>} : memref<24x2048xf32, #tpu.memory_space<vmem>>, vector<16xf32>,
        tpu.vector_store %arg9[%parallel_loop3A_124, %parallel_loop3A_125], %parallel_loop3A_122 {strides = array<i32>} : memref<24x2048xf32, #tpu.memory_space<vmem>>, vector<16xf32>,
        %parallel_loop3A_127 = arith.constant 588 : i32
        %parallel_loop3A_128 = vector.broadcast %parallel_loop3A_127 : i32 to vector<16xi32>
        %parallel_loop3A_129 = arith.addi %parallel_loop3A_70, %parallel_loop3A_128 : vector<16xi32>
        %parallel_loop3A_130 = tpu.vector_load_idx %arg5[%parallel_loop3A_129] : memref<2016xf32, #tpu.memory_space<vmem>>[vector<16xi32>], vector<16xf32>,
        %parallel_loop3A_131 = arith.constant 7 : i32
        %parallel_loop3A_132 = arith.index_cast %parallel_loop3A_131 : i32 to index
        %parallel_loop3A_133 = arith.index_cast %parallel_loop3A_68 : i32 to index
        %parallel_loop3A_134 = tpu.vector_load %arg9[%parallel_loop3A_132, %parallel_loop3A_133] {strides = array<i32>} : memref<24x2048xf32, #tpu.memory_space<vmem>>, vector<16xf32>,
        tpu.vector_store %arg9[%parallel_loop3A_132, %parallel_loop3A_133], %parallel_loop3A_130 {strides = array<i32>} : memref<24x2048xf32, #tpu.memory_space<vmem>>, vector<16xf32>,
        %parallel_loop3A_135 = arith.constant 672 : i32
        %parallel_loop3A_136 = vector.broadcast %parallel_loop3A_135 : i32 to vector<16xi32>
        %parallel_loop3A_137 = arith.addi %parallel_loop3A_70, %parallel_loop3A_136 : vector<16xi32>
        %parallel_loop3A_138 = tpu.vector_load_idx %arg5[%parallel_loop3A_137] : memref<2016xf32, #tpu.memory_space<vmem>>[vector<16xi32>], vector<16xf32>,
        %parallel_loop3A_139 = arith.constant 8 : i32
        %parallel_loop3A_140 = arith.index_cast %parallel_loop3A_139 : i32 to index
        %parallel_loop3A_141 = arith.index_cast %parallel_loop3A_68 : i32 to index
        %parallel_loop3A_142 = tpu.vector_load %arg9[%parallel_loop3A_140, %parallel_loop3A_141] {strides = array<i32>} : memref<24x2048xf32, #tpu.memory_space<vmem>>, vector<16xf32>,
        tpu.vector_store %arg9[%parallel_loop3A_140, %parallel_loop3A_141], %parallel_loop3A_138 {strides = array<i32>} : memref<24x2048xf32, #tpu.memory_space<vmem>>, vector<16xf32>,
        %parallel_loop3A_143 = arith.constant 756 : i32
        %parallel_loop3A_144 = vector.broadcast %parallel_loop3A_143 : i32 to vector<16xi32>
        %parallel_loop3A_145 = arith.addi %parallel_loop3A_70, %parallel_loop3A_144 : vector<16xi32>
        %parallel_loop3A_146 = tpu.vector_load_idx %arg5[%parallel_loop3A_145] : memref<2016xf32, #tpu.memory_space<vmem>>[vector<16xi32>], vector<16xf32>,
        %parallel_loop3A_147 = arith.constant 9 : i32
        %parallel_loop3A_148 = arith.index_cast %parallel_loop3A_147 : i32 to index
        %parallel_loop3A_149 = arith.index_cast %parallel_loop3A_68 : i32 to index
        %parallel_loop3A_150 = tpu.vector_load %arg9[%parallel_loop3A_148, %parallel_loop3A_149] {strides = array<i32>} : memref<24x2048xf32, #tpu.memory_space<vmem>>, vector<16xf32>,
        tpu.vector_store %arg9[%parallel_loop3A_148, %parallel_loop3A_149], %parallel_loop3A_146 {strides = array<i32>} : memref<24x2048xf32, #tpu.memory_space<vmem>>, vector<16xf32>,
        %parallel_loop3A_151 = arith.constant 840 : i32
        %parallel_loop3A_152 = vector.broadcast %parallel_loop3A_151 : i32 to vector<16xi32>
        %parallel_loop3A_153 = arith.addi %parallel_loop3A_70, %parallel_loop3A_152 : vector<16xi32>
        %parallel_loop3A_154 = tpu.vector_load_idx %arg5[%parallel_loop3A_153] : memref<2016xf32, #tpu.memory_space<vmem>>[vector<16xi32>], vector<16xf32>,
        %parallel_loop3A_155 = arith.constant 10 : i32
        %parallel_loop3A_156 = arith.index_cast %parallel_loop3A_155 : i32 to index
        %parallel_loop3A_157 = arith.index_cast %parallel_loop3A_68 : i32 to index
        %parallel_loop3A_158 = tpu.vector_load %arg9[%parallel_loop3A_156, %parallel_loop3A_157] {strides = array<i32>} : memref<24x2048xf32, #tpu.memory_space<vmem>>, vector<16xf32>,
        tpu.vector_store %arg9[%parallel_loop3A_156, %parallel_loop3A_157], %parallel_loop3A_154 {strides = array<i32>} : memref<24x2048xf32, #tpu.memory_space<vmem>>, vector<16xf32>,
        %parallel_loop3A_159 = arith.constant 924 : i32
        %parallel_loop3A_160 = vector.broadcast %parallel_loop3A_159 : i32 to vector<16xi32>
        %parallel_loop3A_161 = arith.addi %parallel_loop3A_70, %parallel_loop3A_160 : vector<16xi32>
        %parallel_loop3A_162 = tpu.vector_load_idx %arg5[%parallel_loop3A_161] : memref<2016xf32, #tpu.memory_space<vmem>>[vector<16xi32>], vector<16xf32>,
        %parallel_loop3A_163 = arith.constant 11 : i32
        %parallel_loop3A_164 = arith.index_cast %parallel_loop3A_163 : i32 to index
        %parallel_loop3A_165 = arith.index_cast %parallel_loop3A_68 : i32 to index
        %parallel_loop3A_166 = tpu.vector_load %arg9[%parallel_loop3A_164, %parallel_loop3A_165] {strides = array<i32>} : memref<24x2048xf32, #tpu.memory_space<vmem>>, vector<16xf32>,
        tpu.vector_store %arg9[%parallel_loop3A_164, %parallel_loop3A_165], %parallel_loop3A_162 {strides = array<i32>} : memref<24x2048xf32, #tpu.memory_space<vmem>>, vector<16xf32>,
        %parallel_loop3A_167 = arith.constant 1008 : i32
        %parallel_loop3A_168 = vector.broadcast %parallel_loop3A_167 : i32 to vector<16xi32>
        %parallel_loop3A_169 = arith.addi %parallel_loop3A_70, %parallel_loop3A_168 : vector<16xi32>
        %parallel_loop3A_170 = tpu.vector_load_idx %arg5[%parallel_loop3A_169] : memref<2016xf32, #tpu.memory_space<vmem>>[vector<16xi32>], vector<16xf32>,
        %parallel_loop3A_171 = arith.constant 12 : i32
        %parallel_loop3A_172 = arith.index_cast %parallel_loop3A_171 : i32 to index
        %parallel_loop3A_173 = arith.index_cast %parallel_loop3A_68 : i32 to index
        %parallel_loop3A_174 = tpu.vector_load %arg9[%parallel_loop3A_172, %parallel_loop3A_173] {strides = array<i32>} : memref<24x2048xf32, #tpu.memory_space<vmem>>, vector<16xf32>,
        tpu.vector_store %arg9[%parallel_loop3A_172, %parallel_loop3A_173], %parallel_loop3A_170 {strides = array<i32>} : memref<24x2048xf32, #tpu.memory_space<vmem>>, vector<16xf32>,
        %parallel_loop3A_175 = arith.constant 1092 : i32
        %parallel_loop3A_176 = vector.broadcast %parallel_loop3A_175 : i32 to vector<16xi32>
        %parallel_loop3A_177 = arith.addi %parallel_loop3A_70, %parallel_loop3A_176 : vector<16xi32>
        %parallel_loop3A_178 = tpu.vector_load_idx %arg5[%parallel_loop3A_177] : memref<2016xf32, #tpu.memory_space<vmem>>[vector<16xi32>], vector<16xf32>,
        %parallel_loop3A_179 = arith.constant 13 : i32
        %parallel_loop3A_180 = arith.index_cast %parallel_loop3A_179 : i32 to index
        %parallel_loop3A_181 = arith.index_cast %parallel_loop3A_68 : i32 to index
        %parallel_loop3A_182 = tpu.vector_load %arg9[%parallel_loop3A_180, %parallel_loop3A_181] {strides = array<i32>} : memref<24x2048xf32, #tpu.memory_space<vmem>>, vector<16xf32>,
        tpu.vector_store %arg9[%parallel_loop3A_180, %parallel_loop3A_181], %parallel_loop3A_178 {strides = array<i32>} : memref<24x2048xf32, #tpu.memory_space<vmem>>, vector<16xf32>,
        %parallel_loop3A_183 = arith.constant 1176 : i32
        %parallel_loop3A_184 = vector.broadcast %parallel_loop3A_183 : i32 to vector<16xi32>
        %parallel_loop3A_185 = arith.addi %parallel_loop3A_70, %parallel_loop3A_184 : vector<16xi32>
        %parallel_loop3A_186 = tpu.vector_load_idx %arg5[%parallel_loop3A_185] : memref<2016xf32, #tpu.memory_space<vmem>>[vector<16xi32>], vector<16xf32>,
        %parallel_loop3A_187 = arith.constant 14 : i32
        %parallel_loop3A_188 = arith.index_cast %parallel_loop3A_187 : i32 to index
        %parallel_loop3A_189 = arith.index_cast %parallel_loop3A_68 : i32 to index
        %parallel_loop3A_190 = tpu.vector_load %arg9[%parallel_loop3A_188, %parallel_loop3A_189] {strides = array<i32>} : memref<24x2048xf32, #tpu.memory_space<vmem>>, vector<16xf32>,
        tpu.vector_store %arg9[%parallel_loop3A_188, %parallel_loop3A_189], %parallel_loop3A_186 {strides = array<i32>} : memref<24x2048xf32, #tpu.memory_space<vmem>>, vector<16xf32>,
        %parallel_loop3A_191 = arith.constant 1260 : i32
        %parallel_loop3A_192 = vector.broadcast %parallel_loop3A_191 : i32 to vector<16xi32>
        %parallel_loop3A_193 = arith.addi %parallel_loop3A_70, %parallel_loop3A_192 : vector<16xi32>
        %parallel_loop3A_194 = tpu.vector_load_idx %arg5[%parallel_loop3A_193] : memref<2016xf32, #tpu.memory_space<vmem>>[vector<16xi32>], vector<16xf32>,
        %parallel_loop3A_195 = arith.constant 15 : i32
        %parallel_loop3A_196 = arith.index_cast %parallel_loop3A_195 : i32 to index
        %parallel_loop3A_197 = arith.index_cast %parallel_loop3A_68 : i32 to index
        %parallel_loop3A_198 = tpu.vector_load %arg9[%parallel_loop3A_196, %parallel_loop3A_197] {strides = array<i32>} : memref<24x2048xf32, #tpu.memory_space<vmem>>, vector<16xf32>,
        tpu.vector_store %arg9[%parallel_loop3A_196, %parallel_loop3A_197], %parallel_loop3A_194 {strides = array<i32>} : memref<24x2048xf32, #tpu.memory_space<vmem>>, vector<16xf32>,
        %parallel_loop3A_199 = arith.constant 1344 : i32
        %parallel_loop3A_200 = vector.broadcast %parallel_loop3A_199 : i32 to vector<16xi32>
        %parallel_loop3A_201 = arith.addi %parallel_loop3A_70, %parallel_loop3A_200 : vector<16xi32>
        %parallel_loop3A_202 = tpu.vector_load_idx %arg5[%parallel_loop3A_201] : memref<2016xf32, #tpu.memory_space<vmem>>[vector<16xi32>], vector<16xf32>,
        %parallel_loop3A_203 = arith.constant 16 : i32
        %parallel_loop3A_204 = arith.index_cast %parallel_loop3A_203 : i32 to index
        %parallel_loop3A_205 = arith.index_cast %parallel_loop3A_68 : i32 to index
        %parallel_loop3A_206 = tpu.vector_load %arg9[%parallel_loop3A_204, %parallel_loop3A_205] {strides = array<i32>} : memref<24x2048xf32, #tpu.memory_space<vmem>>, vector<16xf32>,
        tpu.vector_store %arg9[%parallel_loop3A_204, %parallel_loop3A_205], %parallel_loop3A_202 {strides = array<i32>} : memref<24x2048xf32, #tpu.memory_space<vmem>>, vector<16xf32>,
        %parallel_loop3A_207 = arith.constant 1428 : i32
        %parallel_loop3A_208 = vector.broadcast %parallel_loop3A_207 : i32 to vector<16xi32>
        %parallel_loop3A_209 = arith.addi %parallel_loop3A_70, %parallel_loop3A_208 : vector<16xi32>
        %parallel_loop3A_210 = tpu.vector_load_idx %arg5[%parallel_loop3A_209] : memref<2016xf32, #tpu.memory_space<vmem>>[vector<16xi32>], vector<16xf32>,
        %parallel_loop3A_211 = arith.constant 17 : i32
        %parallel_loop3A_212 = arith.index_cast %parallel_loop3A_211 : i32 to index
        %parallel_loop3A_213 = arith.index_cast %parallel_loop3A_68 : i32 to index
        %parallel_loop3A_214 = tpu.vector_load %arg9[%parallel_loop3A_212, %parallel_loop3A_213] {strides = array<i32>} : memref<24x2048xf32, #tpu.memory_space<vmem>>, vector<16xf32>,
        tpu.vector_store %arg9[%parallel_loop3A_212, %parallel_loop3A_213], %parallel_loop3A_210 {strides = array<i32>} : memref<24x2048xf32, #tpu.memory_space<vmem>>, vector<16xf32>,
        %parallel_loop3A_215 = arith.constant 1512 : i32
        %parallel_loop3A_216 = vector.broadcast %parallel_loop3A_215 : i32 to vector<16xi32>
        %parallel_loop3A_217 = arith.addi %parallel_loop3A_70, %parallel_loop3A_216 : vector<16xi32>
        %parallel_loop3A_218 = tpu.vector_load_idx %arg5[%parallel_loop3A_217] : memref<2016xf32, #tpu.memory_space<vmem>>[vector<16xi32>], vector<16xf32>,
        %parallel_loop3A_219 = arith.constant 18 : i32
        %parallel_loop3A_220 = arith.index_cast %parallel_loop3A_219 : i32 to index
        %parallel_loop3A_221 = arith.index_cast %parallel_loop3A_68 : i32 to index
        %parallel_loop3A_222 = tpu.vector_load %arg9[%parallel_loop3A_220, %parallel_loop3A_221] {strides = array<i32>} : memref<24x2048xf32, #tpu.memory_space<vmem>>, vector<16xf32>,
        tpu.vector_store %arg9[%parallel_loop3A_220, %parallel_loop3A_221], %parallel_loop3A_218 {strides = array<i32>} : memref<24x2048xf32, #tpu.memory_space<vmem>>, vector<16xf32>,
        %parallel_loop3A_223 = arith.constant 1596 : i32
        %parallel_loop3A_224 = vector.broadcast %parallel_loop3A_223 : i32 to vector<16xi32>
        %parallel_loop3A_225 = arith.addi %parallel_loop3A_70, %parallel_loop3A_224 : vector<16xi32>
        %parallel_loop3A_226 = tpu.vector_load_idx %arg5[%parallel_loop3A_225] : memref<2016xf32, #tpu.memory_space<vmem>>[vector<16xi32>], vector<16xf32>,
        %parallel_loop3A_227 = arith.constant 19 : i32
        %parallel_loop3A_228 = arith.index_cast %parallel_loop3A_227 : i32 to index
        %parallel_loop3A_229 = arith.index_cast %parallel_loop3A_68 : i32 to index
        %parallel_loop3A_230 = tpu.vector_load %arg9[%parallel_loop3A_228, %parallel_loop3A_229] {strides = array<i32>} : memref<24x2048xf32, #tpu.memory_space<vmem>>, vector<16xf32>,
        tpu.vector_store %arg9[%parallel_loop3A_228, %parallel_loop3A_229], %parallel_loop3A_226 {strides = array<i32>} : memref<24x2048xf32, #tpu.memory_space<vmem>>, vector<16xf32>,
        %parallel_loop3A_231 = arith.constant 1680 : i32
        %parallel_loop3A_232 = vector.broadcast %parallel_loop3A_231 : i32 to vector<16xi32>
        %parallel_loop3A_233 = arith.addi %parallel_loop3A_70, %parallel_loop3A_232 : vector<16xi32>
        %parallel_loop3A_234 = tpu.vector_load_idx %arg5[%parallel_loop3A_233] : memref<2016xf32, #tpu.memory_space<vmem>>[vector<16xi32>], vector<16xf32>,
        %parallel_loop3A_235 = arith.constant 20 : i32
        %parallel_loop3A_236 = arith.index_cast %parallel_loop3A_235 : i32 to index
        %parallel_loop3A_237 = arith.index_cast %parallel_loop3A_68 : i32 to index
        %parallel_loop3A_238 = tpu.vector_load %arg9[%parallel_loop3A_236, %parallel_loop3A_237] {strides = array<i32>} : memref<24x2048xf32, #tpu.memory_space<vmem>>, vector<16xf32>,
        tpu.vector_store %arg9[%parallel_loop3A_236, %parallel_loop3A_237], %parallel_loop3A_234 {strides = array<i32>} : memref<24x2048xf32, #tpu.memory_space<vmem>>, vector<16xf32>,
        %parallel_loop3A_239 = arith.constant 1764 : i32
        %parallel_loop3A_240 = vector.broadcast %parallel_loop3A_239 : i32 to vector<16xi32>
        %parallel_loop3A_241 = arith.addi %parallel_loop3A_70, %parallel_loop3A_240 : vector<16xi32>
        %parallel_loop3A_242 = tpu.vector_load_idx %arg5[%parallel_loop3A_241] : memref<2016xf32, #tpu.memory_space<vmem>>[vector<16xi32>], vector<16xf32>,
        %parallel_loop3A_243 = arith.constant 21 : i32
        %parallel_loop3A_244 = arith.index_cast %parallel_loop3A_243 : i32 to index
        %parallel_loop3A_245 = arith.index_cast %parallel_loop3A_68 : i32 to index
        %parallel_loop3A_246 = tpu.vector_load %arg9[%parallel_loop3A_244, %parallel_loop3A_245] {strides = array<i32>} : memref<24x2048xf32, #tpu.memory_space<vmem>>, vector<16xf32>,
        tpu.vector_store %arg9[%parallel_loop3A_244, %parallel_loop3A_245], %parallel_loop3A_242 {strides = array<i32>} : memref<24x2048xf32, #tpu.memory_space<vmem>>, vector<16xf32>,
        %parallel_loop3A_247 = arith.constant 1848 : i32
        %parallel_loop3A_248 = vector.broadcast %parallel_loop3A_247 : i32 to vector<16xi32>
        %parallel_loop3A_249 = arith.addi %parallel_loop3A_70, %parallel_loop3A_248 : vector<16xi32>
        %parallel_loop3A_250 = tpu.vector_load_idx %arg5[%parallel_loop3A_249] : memref<2016xf32, #tpu.memory_space<vmem>>[vector<16xi32>], vector<16xf32>,
        %parallel_loop3A_251 = arith.constant 22 : i32
        %parallel_loop3A_252 = arith.index_cast %parallel_loop3A_251 : i32 to index
        %parallel_loop3A_253 = arith.index_cast %parallel_loop3A_68 : i32 to index
        %parallel_loop3A_254 = tpu.vector_load %arg9[%parallel_loop3A_252, %parallel_loop3A_253] {strides = array<i32>} : memref<24x2048xf32, #tpu.memory_space<vmem>>, vector<16xf32>,
        tpu.vector_store %arg9[%parallel_loop3A_252, %parallel_loop3A_253], %parallel_loop3A_250 {strides = array<i32>} : memref<24x2048xf32, #tpu.memory_space<vmem>>, vector<16xf32>,
        %parallel_loop3A_255 = arith.constant 1932 : i32
        %parallel_loop3A_256 = vector.broadcast %parallel_loop3A_255 : i32 to vector<16xi32>
        %parallel_loop3A_257 = arith.addi %parallel_loop3A_70, %parallel_loop3A_256 : vector<16xi32>
        %parallel_loop3A_258 = tpu.vector_load_idx %arg5[%parallel_loop3A_257] : memref<2016xf32, #tpu.memory_space<vmem>>[vector<16xi32>], vector<16xf32>,
        %parallel_loop3A_259 = arith.constant 23 : i32
        %parallel_loop3A_260 = arith.index_cast %parallel_loop3A_259 : i32 to index
        %parallel_loop3A_261 = arith.index_cast %parallel_loop3A_68 : i32 to index
        %parallel_loop3A_262 = tpu.vector_load %arg9[%parallel_loop3A_260, %parallel_loop3A_261] {strides = array<i32>} : memref<24x2048xf32, #tpu.memory_space<vmem>>, vector<16xf32>,
        tpu.vector_store %arg9[%parallel_loop3A_260, %parallel_loop3A_261], %parallel_loop3A_258 {strides = array<i32>} : memref<24x2048xf32, #tpu.memory_space<vmem>>, vector<16xf32>,
      } {sc.loop_unroll_factor = 1 : i64, sc.parallel_access}
      %mul3A_59 = arith.constant 2048 : i32
      %mul3A_60 = arith.muli %add3A_22, %mul3A_59 : i32
      %add3A_61 = arith.addi %mul3A_2, %mul3A_60 : i32
      %dma_start3A_62 = arith.constant 0 : i32
      %dma_start3A_63 = tpu.memref_slice %arg4[%dma_start3A_62, %add3A_61] : memref<24x1048576xf32, #tpu.memory_space<hbm>> -> memref<24x2048xf32, #tpu.memory_space<hbm>>
      %dma_start3A_64 = arith.constant 0 : i32
      %dma_start3A_65 = tpu.memref_slice %arg4[%dma_start3A_64, %add3A_61] : memref<24x1048576xf32, #tpu.memory_space<hbm>> -> memref<24x2048xf32, #tpu.memory_space<hbm>>
      tpu.enqueue_dma source(%arg9 : memref<24x2048xf32, #tpu.memory_space<vmem>>) target(%dma_start3A_65 : memref<24x2048xf32, #tpu.memory_space<hbm>>) target_semaphore(%arg11 : memref<!tpu.dma_semaphore, #tpu.memory_space<semaphore_mem>>)
    }
    %scan3A_8 = arith.constant 8 : i32
    %dma_wait3A = arith.constant 0 : i32
    %dma_wait3A_9 = tpu.memref_slice %arg4[%dma_wait3A, %mul3A_2] : memref<24x1048576xf32, #tpu.memory_space<hbm>> -> memref<24x2048xf32, #tpu.memory_space<hbm>>
    %dma_wait3A_10 = arith.constant 0 : i32
    %dma_wait3A_11 = tpu.memref_slice %arg4[%dma_wait3A_10, %mul3A_2] : memref<24x1048576xf32, #tpu.memory_space<hbm>> -> memref<24x2048xf32, #tpu.memory_space<hbm>>
    tpu.wait_dma2 semaphore(%arg10 : memref<!tpu.dma_semaphore, #tpu.memory_space<semaphore_mem>>) src(%arg8 : memref<24x2048xf32, #tpu.memory_space<vmem>>) dst(%dma_wait3A_11 : memref<24x2048xf32, #tpu.memory_space<hbm>>)
    %dma_wait3A_12 = arith.constant 0 : i32
    %dma_wait3A_13 = tpu.memref_slice %arg4[%dma_wait3A_12, %mul3A_2] : memref<24x1048576xf32, #tpu.memory_space<hbm>> -> memref<24x2048xf32, #tpu.memory_space<hbm>>
    %dma_wait3A_14 = arith.constant 0 : i32
    %dma_wait3A_15 = tpu.memref_slice %arg4[%dma_wait3A_14, %mul3A_2] : memref<24x1048576xf32, #tpu.memory_space<hbm>> -> memref<24x2048xf32, #tpu.memory_space<hbm>>
    tpu.wait_dma2 semaphore(%arg11 : memref<!tpu.dma_semaphore, #tpu.memory_space<semaphore_mem>>) src(%arg9 : memref<24x2048xf32, #tpu.memory_space<vmem>>) dst(%dma_wait3A_15 : memref<24x2048xf32, #tpu.memory_space<hbm>>)
    return
  }
}

</mosaic_0001>

<sc_bundles>
// kernel: kernel.3.cloned.1.call-start
scs
__scs_entry_jumppad:
0x0: {  	(pc) =	sbr.rel $0x88, $3  }
0x1: {  	(tag) =	ssettag $0x0;
	lr =	simm.s32 $0x1  }
0x2: {  	[smem:$0x3F9D] =	sst lr;
	_ =	strace $0xD0000000  }
0x3: {  	_ = 	snop  }
0x4: {  	_ = 	snop  }
0x5: {  	_ = 	snop  }
0x6: {  	_ = 	snop  }
0x7: {  	_ = 	snop  }
__scs_overlays_trampoline_lowered:
0x8: {  	[smem:$0x3FAC] =	sst s0  }
0x9: {  	[smem:$0x3FAD] =	sst s1  }
0xa: {  	[smem:$0x3FAE] =	sst s2  }
0xb: {  	[smem:$0x3FAF] =	sst s3  }
0xc: {  	[smem:$0x3FB0] =	sst s4  }
0xd: {  	[smem:$0x3FB1] =	sst s5  }
0xe: {  	[smem:$0x3FB2] =	sst s6  }
0xf: {  	[smem:$0x3FB3] =	sst s7  }
0x10: {  	[smem:$0x3FB4] =	sst s8  }
0x11: {  	[smem:$0x3FB5] =	sst s9;
	s0 =	simm.s32 @!p0 $0x0  }
0x12: {  	s1 =	sld [smem:$0x3F9B];
	s0 =	simm.s32 @p0 $0x1  }
0x13: {  	[smem:$0x3FB6] =	sst s0;
	s0 =	simm.s32 @!p1 $0x0  }
0x14: {  	s2 =	sld [smem:$0x3F9A];
	s0 =	simm.s32 @p1 $0x1  }
0x15: {  	[smem:$0x3FB7] =	sst s0;
	s0 =	simm.s32 @!p2 $0x0  }
0x16: {  	s3 =	sld [smem:$0x3FDB];
	s0 =	simm.s32 @p2 $0x1  }
0x17: {  	s4 =	simm.s32 $0x1BF5;
	[smem:$0x3FB9] =	sst s0  }
0x18: {  	s0 =	sld [smem:$0x3F9C];
	_ =	swait.ge [sflag:s4], $0x0  }
0x19: {  	s7 =	sld [smem:$0x3F9D]  }
0x1a: {  	s8 =	sadd.s32 $0xFFFFE003, lr  }
0x1b: {  	s9 =	sadd.s32 $0xFFFFFEF7, lr;
	s5 =	simm.s32 $0xFFFFFFFF;
	p2 =	slt.u32 s8, $0xFFFFF086  }
0x1c: {  	p1 =	slt.u32 s9, $0xF7A;
	s5 =	simm.s32 @!p2 $0x0  }
0x1d: {  	s5 =	simm.s32 @p1 $0x1;
	p0 =	seq.s32 s7, s2  }
0x1e: {  	s7 =	smul.u32 @!p0 $0xF7A, s2;
	p2 =	seq.s32 @!p0 s5, $0x0  }
0x1f: {  	s9 =	smul.u32 $0xF7A, s1;
	s8 =	simm.s32 @!p0 $0x1BF5;
	p2 =	por !p2, p0  }
0x20: {  	[sflag:s8] =	ssyncset.s32 @!p0 $0xFFFFF086;
	s6 =	sadd.s32 @!p0 s3, s7;
	s7 =	simm.s32 @!p0 $0x108  }
0x21: {  	s3 =	sadd.s32 s3, s9;
	s6 =	sadd.s32 @!p0 $0x88, s6;
	s7 =	simm.s32 @p2 $0x1082  }
0x22: {  	[simem:s7], [sflag:s8] =	dma.local @!p0 [hbm:s6], $0xF7A  }
0x23: {  	s9 =	sor.u32 $0xD0000000, s2;
	s6 =	simm.s32 $0x108;
	_ =	swait.ge @!p0 [sflag:s8], $0x0  }
0x24: {  	s3 =	sadd.s32 $0x88, s3;
	s6 =	simm.s32 @!p1 $0x1082;
	[sflag:s4] =	ssyncset.s32 $0xFFFFF086  }
0x25: {  	[simem:s6], [sflag:s4] =	dma.local [hbm:s3], $0xF7A  }
0x26: {  	[smem:$0x3F9D] =	sst s1;
	(tag) =	ssettag s2;
	_ =	strace s9  }
0x27: {  	s1 =	sld [smem:$0x3FAD]  }
0x28: {  	s2 =	sld [smem:$0x3FAE]  }
0x29: {  	s4 =	sld [smem:$0x3FB0]  }
0x2a: {  	p0 =	seq.s32 s5, $0x0;
	s5 =	sld [smem:$0x3FB1]  }
0x2b: {  	s6 =	sld [smem:$0x3FB2]  }
0x2c: {  	s7 =	sld [smem:$0x3FB3]  }
0x2d: {  	s3 =	simm.s32 $0x108;
	s8 =	sld [smem:$0x3FB4]  }
0x2e: {  	s3 =	simm.s32 @!p0 $0x1082;
	s9 =	sld [smem:$0x3FB5]  }
0x2f: {  	lr =	sadd.s32 s0, s3;
	s0 =	sld [smem:$0x3FAC]  }
0x30: {  	s3 =	sld [smem:$0x3FAF]  }
0x31: {  	[smem:$0x3FB8] =	sst s10  }
0x32: {  	s10 =	sld [smem:$0x3FB6];
	_ =	sdelay $0x3  }
0x33: {  	p0 =	seq.s32 s10, $0x1;
	s10 =	sld [smem:$0x3FB8];
	_ =	sdelay $0x3  }
0x34: {  	[smem:$0x3FB8] =	sst s10  }
0x35: {  	s10 =	sld [smem:$0x3FB7];
	_ =	sdelay $0x3  }
0x36: {  	p1 =	seq.s32 s10, $0x1;
	s10 =	sld [smem:$0x3FB8];
	_ =	sdelay $0x3  }
0x37: {  	[smem:$0x3FB8] =	sst s10  }
0x38: {  	s10 =	sld [smem:$0x3FB9]  }
0x39: {  	_ = 	snop;
	(pc) =	sbr.ind lr, $3  }
0x3a: {  	_ = 	snop  }
0x3b: {  	_ = 	snop  }
0x3c: {  	p2 =	seq.s32 s10, $0x1;
	s10 =	sld [smem:$0x3FB8]  }
0x3d: {  	_ =	shalt  }
0x3e: {  	_ =	shalt  }
0x3f: {  	_ =	shalt  }
0x40: {  	_ =	shalt  }
0x41: {  	_ =	shalt  }
0x42: {  	_ =	shalt  }
0x43: {  	_ =	shalt  }
0x44: {  	_ =	shalt  }
0x45: {  	_ =	shalt  }
0x46: {  	_ =	shalt  }
0x47: {  	_ =	shalt  }
0x48: {  	_ =	shalt  }
0x49: {  	_ =	shalt  }
0x4a: {  	_ =	shalt  }
0x4b: {  	_ =	shalt  }
0x4c: {  	_ =	shalt  }
0x4d: {  	_ =	shalt  }
0x4e: {  	_ =	shalt  }
0x4f: {  	_ =	shalt  }
0x50: {  	_ =	shalt  }
0x51: {  	_ =	shalt  }
0x52: {  	_ =	shalt  }
0x53: {  	_ =	shalt  }
0x54: {  	_ =	shalt  }
0x55: {  	_ =	shalt  }
0x56: {  	_ =	shalt  }
0x57: {  	_ =	shalt  }
0x58: {  	_ =	shalt  }
0x59: {  	_ =	shalt  }
0x5a: {  	_ =	shalt  }
0x5b: {  	_ =	shalt  }
0x5c: {  	_ =	shalt  }
0x5d: {  	_ =	shalt  }
0x5e: {  	_ =	shalt  }
0x5f: {  	_ =	shalt  }
0x60: {  	_ =	shalt  }
0x61: {  	_ =	shalt  }
0x62: {  	_ =	shalt  }
0x63: {  	_ =	shalt  }
0x64: {  	_ =	shalt  }
0x65: {  	_ =	shalt  }
0x66: {  	_ =	shalt  }
0x67: {  	_ =	shalt  }
0x68: {  	_ =	shalt  }
0x69: {  	_ =	shalt  }
0x6a: {  	_ =	shalt  }
0x6b: {  	_ =	shalt  }
0x6c: {  	_ =	shalt  }
0x6d: {  	_ =	shalt  }
0x6e: {  	_ =	shalt  }
0x6f: {  	_ =	shalt  }
0x70: {  	_ =	shalt  }
0x71: {  	_ =	shalt  }
0x72: {  	_ =	shalt  }
0x73: {  	_ =	shalt  }
0x74: {  	_ =	shalt  }
0x75: {  	_ =	shalt  }
0x76: {  	_ =	shalt  }
0x77: {  	_ =	shalt  }
0x78: {  	_ =	shalt  }
0x79: {  	_ =	shalt  }
0x7a: {  	_ =	shalt  }
0x7b: {  	_ =	shalt  }
0x7c: {  	_ =	shalt  }
0x7d: {  	_ =	shalt  }
0x7e: {  	_ =	shalt  }
0x7f: {  	_ =	shalt  }
0x80: {  	_ =	shalt  }
0x81: {  	_ =	shalt  }
0x82: {  	_ =	shalt  }
0x83: {  	_ =	shalt  }
0x84: {  	_ =	shalt  }
0x85: {  	_ =	shalt  }
0x86: {  	_ =	shalt  }
0x87: {  	_ =	shalt  }
.Lfunc_end0:
.L_simem_size_0:
called_computation_lowered:
.L_overlay_start_0:
0x88: {  	s2 =	sld [smem:$0x3FD9]  }
0x89: {  	s3 =	sld [smem:$0x3FFE];
	_ =	sdelay $0x1  }
0x8a: {  	s1 =	srdreg.scid  }
0x8b: {  	s0 =	sand.u32 $0x1, s1  }
0x8c: {  	s15 =	sshll.u32 s0, $0xA;
	s2 =	sadd.s32 s3, s2  }
0x8d: {  	s2 =	sadd.s32 s2, s15  }
0x8e: {  	[smem:$0x3FC4] =	sst s2  }
0x8f: {  	_ = 	snop  }
0x90: {  	s2 =	sld [smem:$0x3FD0];
	_ =	sdelay $0x2  }
0x91: {  	s4 =	simm.s32 $0xA;
	s5 =	simm.s32 $0x10;
	s16 =	sld [smem:$0x3FC9]  }
0x92: {  	[smem:s5], [sflag:s4] =	dma.local [hbm:s2], $0x1  }
0x93: {  	_ =	swait.eq [sflag:s4], $0x1  }
0x94: {  	[sflag:s4] =	ssyncset.done $0x0  }
0x95: {  	s17 =	sld [smem:$0x10];
	[sflag:s4] =	ssyncadd.s32 $0xFFFFFFFF  }
0x96: {  	s18 =	sld [smem:$0x12];
	(tm) =	ssettm $0x1  }
0x97: {  	s19 =	sld [smem:$0x3FFB];
	_ =	sdelay $0x3  }
0x98: {  	_ =	strace s19  }
0x99: {  	s5 =	sld [smem:$0x3FFC];
	_ =	sdelay $0x3  }
0x9a: {  	_ =	strace s5  }
0x9b: {  	s5 =	sld [smem:$0x3FFD];
	_ =	sdelay $0x3  }
0x9c: {  	_ =	strace s5  }
0x9d: {  	_ =	strace $0x8FFFFFFF  }
0x9e: {  	s20 =	sld [smem:$0x3FDB];
	_ =	sdelay $0x1  }
0x9f: {  	s6 =	simm.s32 $_scs_section_size  }
0xa0: {  	s7 =	simm.s32 $_size__tile_overlayer_lowered;
	s8 =	simm.s32 $_tile_overlayer_lowered  }
0xa1: {  	s23 =	simm.s32 $0x1BFF;
	s22 =	sshll.u32 s8, $0x1;
	s5 =	sadd.s32 s6, s20  }
0xa2: {  	s9 =	simm.s32 $0x0;
	s21 =	sshll.u32 s7, $0x1;
	s7 =	sadd.s32 s22, s5  }
0xa3: {  	[timem:s9], [sflag:s23] =	dma.local [hbm:s7], s21  }
0xa4: {  	_ =	swait.ge [sflag:s23], s21  }
0xa5: {  	s6 =	ssub.s32 $0x0, s21;
	[sflag:s23] =	ssyncset.done $0x0  }
0xa6: {  	[sflag:s23] =	ssyncadd.s32 s6;
	_ =	sdelay $0x1  }
0xa7: {  	s24 =	simm.s32 $0x1B8B  }
0xa8: {  	_ =	swait.ge [sflag:s24], $0x1  }
0xa9: {  	[sflag:s24] =	ssyncset.done $0x0  }
0xaa: {  	s25 =	simm.s32 $0x1B8E;
	[sflag:s24] =	ssyncadd.s32 $0xFFFFFFFF  }
0xab: {  	s26 =	simm.s32 $execute0_lowered;
	[smem:$0x3FD2] =	sst s25  }
0xac: {  	s6 =	sshll.u32 s26, $0x1;
	_ =	strace $0x80000046;
	[dreg:$0x1] =	wrdreg $0xFFFFFFFF  }
0xad: {  	s28 =	simm.s32 $_size_execute0_lowered;
	s5 =	sadd.s32 s5, s6;
	[dreg:$0x0] =	wrdreg $0x0  }
0xae: {  	s6 =	sshll.u32 s28, $0x1;
	[dreg:$0x2] =	wrdreg s5  }
0xaf: {  	[dreg:$0x3] =	wrdreg s6  }
0xb0: {  	[dreg:$0x4] =	wrdreg $0xC0  }
0xb1: {  	_ =	task [dreg:s9], $0x5FFFF  }
0xb2: {  	[dreg:$0x1] =	wrdreg $0xFFFFFFFF  }
0xb3: {  	[dreg:$0x0] =	wrdreg $0x60  }
0xb4: {  	[dreg:$0x2] =	wrdreg s16  }
0xb5: {  	[dreg:$0x3] =	wrdreg s18  }
0xb6: {  	[dreg:$0x4] =	wrdreg s17  }
0xb7: {  	[dreg:$0x5] =	wrdreg $0x9  }
0xb8: {  	_ =	task.clear_ibuf [dreg:s9], $0x6FFFF;
	_ =	strace $0x90000046  }
0xb9: {  	s29 =	simm.s32 $0x9;
	_ =	strace $0x80000048  }
0xba: {  	_ =	swait.ge [sflag:s29], $0x1  }
0xbb: {  	[sflag:s29] =	ssyncadd.s32 $0xFFFFFFFF  }
0xbc: {  	_ =	strace $0x90000048  }
0xbd: {  	_ =	sfence  }
0xbe: {  	s30 =	sld [smem:$0x0];
	_ =	sdelay $0x2  }
0xbf: {  	s31 =	sshll.u32 s1, $0xD;
	s1 =	sshrl.u32 s1, $0x2  }
0xc0: {  	s3 =	sand.u32 $0x4000, s31;
	s1 =	sadd.s32 s1, s30  }
0xc1: {  	s0 =	sor.u32 s3, s0;
	s1 =	sshll.u32 s1, $0x11  }
0xc2: {  	s0 =	sor.u32 s1, s0  }
0xc3: {  	s0 =	sadd.s32 $0x8F2B, s0  }
0xc4: {  	[sflag:s0] =	ssyncadd.remote.s32 $0x1  }
0xc5: {  	_ =	sfence.sel $0xFFFF  }
0xc6: {  	[dreg:$0x0] =	wrdreg $0xFFFFFFFF;
	(pc) =	sbr.abs _section_cstart, $3  }
0xc7: {  	[dreg:$0x1] =	wrdreg $0xFFFFFFFF  }
0xc8: {  	_ =	task.clear_ibuf [dreg:s9], $0x2FFFF;
	_ =	strace $0x9FFFFFFF  }
0xc9: {  	(tm) =	ssettm $0x7FFFFFFF  }
tec
execute0_lowered:
.L_overlay_start_1:
0x0: {  	(tag) =	ssettag $0x1  }
0x1: {  	s1 =	rddreg [dreg:$0x0]  }
0x2: {  	s4 =	rddreg [dreg:$0x2];
	s0 =	srdreg.scid  }
0x3: {  	s2 =	stileid.u32;
	s5 =	simm.s32 $0x0;
	s13 =	simm.s32 $0x1000  }
0x4: {  	s14 =	simm.s32 $0x3;
	s15 =	simm.s32 $0x4000;
	s16 =	simm.s32 $0x800000  }
0x5: {  	s17 =	simm.s32 $0x1800;
	s18 =	simm.s32 $0x4;
	s0 =	sand.u32 $0x1, s0  }
0x6: {  	s19 =	simm.s32 $0x2;
	s2 =	sshll.u32 s2, $0x10;
	s3 =	sshll.u32 s0, $0xF  }
0x7: {  	[smem:$0x7FF] =	sst s5;
	s0 =	ssub.s32 $0x2, s0;
	s2 =	sor.u32 s3, s2  }
0x8: {  	_ =	strace $0x80000047;
	s30 =	sshrl.u32 s0, $0x1;
	s6 =	sshrl.u32 s2, $0x3  }
0x9: {  	s7 =	sor.u32 $0x800, s2;
	s8 =	sadd.s32 s4, s2;
	s2 =	sor.u32 $0x1000, s2  }
0xa: {  	s0 =	ssub.s32 s0, s30;
	s31 =	sadd.s32 s1, s6;
	[dreg:$0x5] =	wrdreg s2  }
0xb: {  	s20 =	simm.s32 $0xD800;
	s0 =	smax.u32 s0, $0x1;
	[dreg:$0x4] =	wrdreg s31  }
0xc: {  	s9 =	smov.u32 s4;
	s2 =	simm.s32 $0x0;
	[dreg:$0x6] =	wrdreg s0  }
.LBB2_1:
0xd: {  	[dreg:$0x7] =	wrdreg s2  }
0xe: {  	s0 =	rddreg [dreg:$0x1];
	s29 =	simm.s32 $0x5  }
0xf: {  	[tilespmem:s5], [sflag:$0x5] =	stream.linear.gather [hbm4b:s0+s5], $0x800, $0x38;
	[tilespmem:$0x19800] =	vst v63  }
0x10: {  	_ =	swait.ge [sflag:s29], $0x800  }
0x11: {  	s31 =	simm.s32 $0x800;
	[sflag:s29] =	ssyncset.done $0x0  }
0x12: {  	s23 =	simm.s32 $0x0;
	s30 =	rddreg [dreg:$0x4];
	[sflag:s29] =	ssyncadd.s32 $0xFFFFF800  }
0x13: {  	[tilespmem:s31], [sflag:$0x3] =	stream.linear.gather [hbm4b:s30+s5], $0x800, $0x38;
	[tilespmem:$0x19800] =	vst v63  }
.LBB2_2:
0x14: {  	s25 =	sshll.u32 s23, $0xC  }
0x15: {  	s24 =	sadd.s32 s7, s25  }
0x16: {  	s0 =	sshrl.u32 s24, $0x3  }
0x17: {  	s0 =	sadd.s32 s1, s0  }
0x18: {  	[tilespmem:s13], [sflag:$0x4] =	stream.linear.gather [hbm4b:s0+s5], $0x800, $0x38;
	[tilespmem:$0x19800] =	vst v63  }
0x19: {  	_ =	swait.ge [sflag:s14], $0x800  }
0x1a: {  	p0 =	seq.s32 s23, $0x0;
	[sflag:s14] =	ssyncset.done $0x0  }
0x1b: {  	s0 =	simm.s32 @!p0 $0x1;
	[sflag:s14] =	ssyncadd.s32 $0xFFFFF800  }
0x1c: {  	_ =	swait.ge @!p0 [sflag:s0], $0xC000  }
0x1d: {  	[sflag:s0] =	ssyncset.done @!p0 $0x0  }
0x1e: {  	s11 =	simm.s32 $0x800;
	[sflag:s0] =	ssyncadd.s32 @!p0 $0xFFFF4000  }
0x1f: {  	v3 =	vld [tilespmem:s11+$0x0];
	_ =	sdelay $0x7  }
0x20: {  	v0 =	vld.idx.msk [tilespmem:v3+s5+$0x0], $0xffff  }
0x21: {  	v1 =	vadd.s32 $0x54, v3  }
0x22: {  	s12 =	simm.s32 $0x0  }
0x23: {  	s2 =	sand.u32 $0x70, s12;
	s3 =	sand.u32 $0x3C00, s12  }
0x24: {  	s29 =	sor.u32 s2, s3  }
0x25: {  	[tilespmem:s29+$0x1800] =	vst v0  }
0x26: {  	v0 =	vld.idx.msk [tilespmem:v1+s5+$0x0], $0xffff  }
0x27: {  	v1 =	vadd.s32 $0xA8, v3;
	_ =	sdelay $0x3  }
0x28: {  	[tilespmem:s29+$0x1880] =	vst v0  }
0x29: {  	s21 =	simm.s32 $0x810;
	v1 =	vld.idx.msk [tilespmem:v1+s5+$0x0], $0xffff  }
0x2a: {  	v2 =	vadd.s32 $0xFC, v3;
	v0 =	vld [tilespmem:s21+$0x0];
	_ =	sdelay $0x3  }
0x2b: {  	[tilespmem:s29+$0x1900] =	vst v1  }
0x2c: {  	v1 =	vld.idx.msk [tilespmem:v2+s5+$0x0], $0xffff  }
0x2d: {  	v2 =	vadd.s32 $0x150, v3;
	_ =	sdelay $0x1  }
0x2e: {  	v4 =	vld.idx.msk [tilespmem:v0+s5+$0x0], $0xffff  }
0x2f: {  	v5 =	vadd.s32 $0x54, v0  }
0x30: {  	s22 =	simm.s32 $0x10;
	s26 =	simm.s32 $0x80;
	[tilespmem:s29+$0x1980] =	vst v1  }
0x31: {  	s2 =	sand.u32 $0x70, s22;
	s3 =	sand.u32 $0x3C00, s26;
	v1 =	vld.idx.msk [tilespmem:v2+s5+$0x0], $0xffff  }
0x32: {  	s26 =	sor.u32 s2, s3;
	v2 =	vadd.s32 $0x1A4, v3  }
0x33: {  	[tilespmem:s26+$0x1800] =	vst v4  }
0x34: {  	v4 =	vld.idx.msk [tilespmem:v5+s5+$0x0], $0xffff  }
0x35: {  	v5 =	vadd.s32 $0xA8, v0  }
0x36: {  	[tilespmem:s29+$0x1A00] =	vst v1  }
0x37: {  	v2 =	vld.idx.msk [tilespmem:v2+s5+$0x0], $0xffff  }
0x38: {  	v6 =	vadd.s32 $0x1F8, v3  }
0x39: {  	[tilespmem:s26+$0x1880] =	vst v4  }
0x3a: {  	v4 =	vld.idx.msk [tilespmem:v5+s5+$0x0], $0xffff  }
0x3b: {  	s4 =	simm.s32 $0x820;
	v5 =	vadd.s32 $0xFC, v0  }
0x3c: {  	v1 =	vld [tilespmem:s4+$0x0];
	[tilespmem:s29+$0x1A80] =	vst v2  }
0x3d: {  	v2 =	vld.idx.msk [tilespmem:v6+s5+$0x0], $0xffff  }
0x3e: {  	v6 =	vadd.s32 $0x24C, v3  }
0x3f: {  	[tilespmem:s26+$0x1900] =	vst v4  }
0x40: {  	v4 =	vld.idx.msk [tilespmem:v5+s5+$0x0], $0xffff  }
0x41: {  	v5 =	vadd.s32 $0x150, v0  }
0x42: {  	[tilespmem:s29+$0x1B00] =	vst v2  }
0x43: {  	v2 =	vld.idx.msk [tilespmem:v6+s5+$0x0], $0xffff  }
0x44: {  	s0 =	sand.u32 $0x7, s12;
	v7 =	vadd.s32 $0x2A0, v3;
	v6 =	vld.idx.msk [tilespmem:v1+s5+$0x0], $0xffff  }
0x45: {  	s0 =	sshll.u32 s0, $0x4;
	v8 =	vadd.s32 $0x54, v1;
	[tilespmem:s26+$0x1980] =	vst v4  }
0x46: {  	s6 =	simm.s32 $0x20;
	s10 =	simm.s32 $0x100;
	s0 =	sadd.s32 $0x0, s0;
	v4 =	vld.idx.msk [tilespmem:v5+s5+$0x0], $0xffff  }
0x47: {  	s2 =	sand.u32 $0x70, s6;
	s3 =	sand.u32 $0x3C00, s10;
	s0 =	sor.u32 $0x380, s0;
	v5 =	vadd.s32 $0x1A4, v0  }
0x48: {  	s28 =	sor.u32 s2, s3;
	[tilespmem:s0+$0x1800] =	vst v2  }
0x49: {  	[tilespmem:s28+$0x1800] =	vst v6;
	v2 =	vld.idx.msk [tilespmem:v7+s5+$0x0], $0xffff  }
0x4a: {  	v6 =	vld.idx.msk [tilespmem:v8+s5+$0x0], $0xffff;
	v7 =	vadd.s32 $0x2F4, v3  }
0x4b: {  	v8 =	vadd.s32 $0xA8, v1;
	[tilespmem:s26+$0x1A00] =	vst v4  }
0x4c: {  	v4 =	vld.idx.msk [tilespmem:v5+s5+$0x0], $0xffff  }
0x4d: {  	v5 =	vadd.s32 $0x1F8, v0  }
0x4e: {  	[tilespmem:s29+$0x5800] =	vst v2  }
0x4f: {  	[tilespmem:s28+$0x1880] =	vst v6;
	v6 =	vld.idx.msk [tilespmem:v7+s5+$0x0], $0xffff  }
0x50: {  	s11 =	simm.s32 $0x830;
	v7 =	vld.idx.msk [tilespmem:v8+s5+$0x0], $0xffff;
	v8 =	vadd.s32 $0x348, v3  }
0x51: {  	v9 =	vadd.s32 $0xFC, v1;
	v2 =	vld [tilespmem:s11+$0x0];
	[tilespmem:s26+$0x1A80] =	vst v4  }
0x52: {  	v4 =	vld.idx.msk [tilespmem:v5+s5+$0x0], $0xffff  }
0x53: {  	v5 =	vadd.s32 $0x24C, v0  }
0x54: {  	[tilespmem:s29+$0x5880] =	vst v6  }
0x55: {  	[tilespmem:s28+$0x1900] =	vst v7;
	v6 =	vld.idx.msk [tilespmem:v8+s5+$0x0], $0xffff  }
0x56: {  	v7 =	vld.idx.msk [tilespmem:v9+s5+$0x0], $0xffff;
	v8 =	vadd.s32 $0x39C, v3  }
0x57: {  	v9 =	vadd.s32 $0x150, v1;
	[tilespmem:s26+$0x1B00] =	vst v4  }
0x58: {  	s12 =	simm.s32 $0x1;
	v4 =	vld.idx.msk [tilespmem:v5+s5+$0x0], $0xffff  }
0x59: {  	v10 =	vadd.s32 $0x2A0, v0;
	s0 =	sand.u32 $0x7, s12;
	v5 =	vld.idx.msk [tilespmem:v2+s5+$0x0], $0xffff  }
0x5a: {  	s0 =	sshll.u32 s0, $0x4;
	[tilespmem:s29+$0x5900] =	vst v6;
	v6 =	vadd.s32 $0x54, v2  }
0x5b: {  	s22 =	simm.s32 $0x180;
	s21 =	simm.s32 $0x30;
	s0 =	sadd.s32 $0x80, s0;
	[tilespmem:s28+$0x1980] =	vst v7;
	v7 =	vld.idx.msk [tilespmem:v8+s5+$0x0], $0xffff  }
0x5c: {  	s3 =	sand.u32 $0x3C00, s22;
	s2 =	sand.u32 $0x70, s21;
	s0 =	sor.u32 $0x380, s0;
	v8 =	vld.idx.msk [tilespmem:v9+s5+$0x0], $0xffff;
	v9 =	vadd.s32 $0x3F0, v3  }
0x5d: {  	s30 =	sor.u32 s2, s3;
	v11 =	vadd.s32 $0x1A4, v1;
	[tilespmem:s0+$0x1800] =	vst v4  }
0x5e: {  	[tilespmem:s30+$0x1800] =	vst v5;
	v4 =	vld.idx.msk [tilespmem:v10+s5+$0x0], $0xffff  }
0x5f: {  	v5 =	vld.idx.msk [tilespmem:v6+s5+$0x0], $0xffff;
	v6 =	vadd.s32 $0x2F4, v0  }
0x60: {  	[tilespmem:s29+$0x5980] =	vst v7;
	v7 =	vadd.s32 $0xA8, v2  }
0x61: {  	[tilespmem:s28+$0x1A00] =	vst v8;
	v8 =	vld.idx.msk [tilespmem:v9+s5+$0x0], $0xffff  }
0x62: {  	v10 =	vadd.s32 $0x444, v3;
	v9 =	vld.idx.msk [tilespmem:v11+s5+$0x0], $0xffff  }
0x63: {  	v11 =	vadd.s32 $0x1F8, v1;
	[tilespmem:s26+$0x5800] =	vst v4  }
0x64: {  	[tilespmem:s30+$0x1880] =	vst v5;
	v5 =	vld.idx.msk [tilespmem:v6+s5+$0x0], $0xffff  }
0x65: {  	s4 =	simm.s32 $0x840;
	v6 =	vld.idx.msk [tilespmem:v7+s5+$0x0], $0xffff;
	v7 =	vadd.s32 $0x348, v0  }
0x66: {  	v4 =	vld [tilespmem:s4+$0x0];
	[tilespmem:s29+$0x5A00] =	vst v8;
	v8 =	vadd.s32 $0xFC, v2  }
0x67: {  	[tilespmem:s28+$0x1A80] =	vst v9;
	v9 =	vld.idx.msk [tilespmem:v10+s5+$0x0], $0xffff  }
0x68: {  	v10 =	vld.idx.msk [tilespmem:v11+s5+$0x0], $0xffff;
	v11 =	vadd.s32 $0x498, v3  }
0x69: {  	v12 =	vadd.s32 $0x24C, v1;
	[tilespmem:s26+$0x5880] =	vst v5  }
0x6a: {  	[tilespmem:s30+$0x1900] =	vst v6;
	v5 =	vld.idx.msk [tilespmem:v7+s5+$0x0], $0xffff  }
0x6b: {  	v7 =	vadd.s32 $0x39C, v0;
	v6 =	vld.idx.msk [tilespmem:v8+s5+$0x0], $0xffff  }
0x6c: {  	v8 =	vadd.s32 $0x150, v2;
	[tilespmem:s29+$0x5A80] =	vst v9  }
0x6d: {  	[tilespmem:s28+$0x1B00] =	vst v10;
	v9 =	vld.idx.msk [tilespmem:v11+s5+$0x0], $0xffff  }
0x6e: {  	s6 =	simm.s32 $0x2;
	v10 =	vld.idx.msk [tilespmem:v12+s5+$0x0], $0xffff;
	v11 =	vadd.s32 $0x4EC, v3  }
0x6f: {  	v13 =	vadd.s32 $0x2A0, v1;
	s0 =	sand.u32 $0x7, s6;
	v12 =	vld.idx.msk [tilespmem:v4+s5+$0x0], $0xffff;
	[tilespmem:s26+$0x5900] =	vst v5  }
0x70: {  	s0 =	sshll.u32 s0, $0x4;
	v5 =	vadd.s32 $0x54, v4;
	[tilespmem:s30+$0x1980] =	vst v6;
	v6 =	vld.idx.msk [tilespmem:v7+s5+$0x0], $0xffff  }
0x71: {  	s10 =	simm.s32 $0x40;
	s3 =	simm.s32 $0x200;
	s0 =	sadd.s32 $0x100, s0;
	v7 =	vld.idx.msk [tilespmem:v8+s5+$0x0], $0xffff;
	v8 =	vadd.s32 $0x3F0, v0  }
0x72: {  	s2 =	sand.u32 $0x70, s10;
	s6 =	sand.u32 $0x3C00, s3;
	s0 =	sor.u32 $0x380, s0;
	[tilespmem:s29+$0x5B00] =	vst v9;
	v9 =	vadd.s32 $0x1A4, v2  }
0x73: {  	s31 =	sor.u32 s2, s6;
	[tilespmem:s0+$0x1800] =	vst v10;
	v10 =	vld.idx.msk [tilespmem:v11+s5+$0x0], $0xffff  }
0x74: {  	[tilespmem:s31+$0x1800] =	vst v12;
	v12 =	vadd.s32 $0x540, v3;
	v11 =	vld.idx.msk [tilespmem:v13+s5+$0x0], $0xffff  }
0x75: {  	v14 =	vadd.s32 $0x2F4, v1;
	v13 =	vld.idx.msk [tilespmem:v5+s5+$0x0], $0xffff;
	[tilespmem:s26+$0x5980] =	vst v6  }
0x76: {  	v6 =	vadd.s32 $0xA8, v4;
	[tilespmem:s30+$0x1A00] =	vst v7;
	v7 =	vld.idx.msk [tilespmem:v8+s5+$0x0], $0xffff  }
0x77: {  	s11 =	simm.s32 $0x850;
	v8 =	vld.idx.msk [tilespmem:v9+s5+$0x0], $0xffff;
	v9 =	vadd.s32 $0x444, v0  }
0x78: {  	v5 =	vld [tilespmem:s11+$0x0];
	[tilespmem:s29+$0x5B80] =	vst v10;
	v10 =	vadd.s32 $0x1F8, v2  }
0x79: {  	[tilespmem:s28+$0x5800] =	vst v11;
	v11 =	vld.idx.msk [tilespmem:v12+s5+$0x0], $0xffff  }
0x7a: {  	[tilespmem:s31+$0x1880] =	vst v13;
	v12 =	vld.idx.msk [tilespmem:v14+s5+$0x0], $0xffff;
	v13 =	vadd.s32 $0x594, v3  }
0x7b: {  	v15 =	vadd.s32 $0x348, v1;
	v14 =	vld.idx.msk [tilespmem:v6+s5+$0x0], $0xffff;
	[tilespmem:s26+$0x5A00] =	vst v7  }
0x7c: {  	v7 =	vadd.s32 $0xFC, v4;
	[tilespmem:s30+$0x1A80] =	vst v8;
	v8 =	vld.idx.msk [tilespmem:v9+s5+$0x0], $0xffff  }
0x7d: {  	s12 =	simm.s32 $0x860;
	v9 =	vld.idx.msk [tilespmem:v10+s5+$0x0], $0xffff;
	v10 =	vadd.s32 $0x498, v0  }
0x7e: {  	v6 =	vld [tilespmem:s12+$0x0];
	[tilespmem:s29+$0x9800] =	vst v11;
	v11 =	vadd.s32 $0x24C, v2  }
0x7f: {  	[tilespmem:s28+$0x5880] =	vst v12;
	v12 =	vld.idx.msk [tilespmem:v13+s5+$0x0], $0xffff  }
0x80: {  	[tilespmem:s31+$0x1900] =	vst v14;
	v13 =	vld.idx.msk [tilespmem:v15+s5+$0x0], $0xffff;
	v14 =	vadd.s32 $0x5E8, v3  }
0x81: {  	v15 =	vadd.s32 $0x39C, v1;
	v7 =	vld.idx.msk [tilespmem:v7+s5+$0x0], $0xffff;
	[tilespmem:s26+$0x5A80] =	vst v8  }
0x82: {  	v8 =	vadd.s32 $0x150, v4;
	[tilespmem:s30+$0x1B00] =	vst v9;
	v9 =	vld.idx.msk [tilespmem:v10+s5+$0x0], $0xffff  }
0x83: {  	s10 =	simm.s32 $0x3;
	v10 =	vld.idx.msk [tilespmem:v11+s5+$0x0], $0xffff;
	v11 =	vadd.s32 $0x4EC, v0  }
0x84: {  	s21 =	sand.u32 $0x7, s10;
	v16 =	vld.idx.msk [tilespmem:v5+s5+$0x0], $0xffff;
	[tilespmem:s29+$0x9880] =	vst v12;
	v12 =	vadd.s32 $0x2A0, v2  }
0x85: {  	s0 =	sshll.u32 s21, $0x4;
	[tilespmem:s28+$0x5900] =	vst v13;
	v13 =	vld.idx.msk [tilespmem:v14+s5+$0x0], $0xffff;
	v14 =	vadd.s32 $0x54, v5  }
0x86: {  	s22 =	simm.s32 $0x50;
	s6 =	simm.s32 $0x280;
	s0 =	sadd.s32 $0x180, s0;
	[tilespmem:s31+$0x1980] =	vst v7;
	v7 =	vld.idx.msk [tilespmem:v15+s5+$0x0], $0xffff;
	v15 =	vadd.s32 $0x63C, v3  }
0x87: {  	v17 =	vadd.s32 $0x3F0, v1;
	s2 =	sand.u32 $0x70, s22;
	s11 =	sand.u32 $0x3C00, s6;
	s21 =	sor.u32 $0x380, s0;
	v8 =	vld.idx.msk [tilespmem:v8+s5+$0x0], $0xffff;
	[tilespmem:s26+$0x5B00] =	vst v9  }
0x88: {  	s0 =	sor.u32 s2, s11;
	v9 =	vadd.s32 $0x1A4, v4;
	[tilespmem:s21+$0x1800] =	vst v10;
	v10 =	vld.idx.msk [tilespmem:v11+s5+$0x0], $0xffff  }
0x89: {  	[tilespmem:s0+$0x1800] =	vst v16;
	v11 =	vld.idx.msk [tilespmem:v12+s5+$0x0], $0xffff;
	v12 =	vadd.s32 $0x540, v0  }
0x8a: {  	v14 =	vld.idx.msk [tilespmem:v14+s5+$0x0], $0xffff;
	[tilespmem:s29+$0x9900] =	vst v13;
	v13 =	vadd.s32 $0x2F4, v2  }
0x8b: {  	[tilespmem:s28+$0x5980] =	vst v7;
	v7 =	vld.idx.msk [tilespmem:v15+s5+$0x0], $0xffff;
	v15 =	vadd.s32 $0xA8, v5  }
0x8c: {  	v16 =	vadd.s32 $0x690, v3;
	[tilespmem:s31+$0x1A00] =	vst v8;
	v8 =	vld.idx.msk [tilespmem:v17+s5+$0x0], $0xffff  }
0x8d: {  	v17 =	vadd.s32 $0x444, v1;
	v9 =	vld.idx.msk [tilespmem:v9+s5+$0x0], $0xffff;
	[tilespmem:s26+$0x5B80] =	vst v10  }
0x8e: {  	v18 =	vadd.s32 $0x1F8, v4;
	[tilespmem:s30+$0x5800] =	vst v11;
	v11 =	vld.idx.msk [tilespmem:v12+s5+$0x0], $0xffff  }
0x8f: {  	[tilespmem:s0+$0x1880] =	vst v14;
	v12 =	vld.idx.msk [tilespmem:v13+s5+$0x0], $0xffff  }
0x90: {  	v10 =	vadd.s32 $0x594, v0;
	v15 =	vld.idx.msk [tilespmem:v15+s5+$0x0], $0xffff;
	[tilespmem:s29+$0x9980] =	vst v7  }
0x91: {  	v13 =	vadd.s32 $0x348, v2;
	[tilespmem:s28+$0x5A00] =	vst v8;
	v8 =	vld.idx.msk [tilespmem:v16+s5+$0x0], $0xffff  }
0x92: {  	[tilespmem:s31+$0x1A80] =	vst v9;
	v9 =	vld.idx.msk [tilespmem:v17+s5+$0x0], $0xffff;
	v16 =	vadd.s32 $0xFC, v5  }
0x93: {  	s2 =	simm.s32 $0x870;
	s11 =	simm.s32 $0x70;
	s21 =	simm.s32 $0x60;
	v7 =	vadd.s32 $0x6E4, v3;
	v14 =	vld.idx.msk [tilespmem:v18+s5+$0x0], $0xffff  }
.LBB2_3:
0x94: {  	v17 =	vld [tilespmem:s2+$0x0];
	p1 =	sne.s32 s11, $0x7F0;
	v18 =	vadd.s32 $0x498, v1;
	[tilespmem:s26+$0x9800] =	vst v11;
	s22 =	smov.u32 s26;
	s26 =	smov.u32 s28  }
0x95: {  	v11 =	vadd.s32 $0x24C, v4;
	s28 =	smov.u32 s30;
	[tilespmem:s30+$0x5880] =	vst v12;
	v10 =	vld.idx.msk [tilespmem:v10+s5+$0x0], $0xffff;
	s30 =	smov.u32 s31;
	s31 =	smov.u32 s0  }
0x96: {  	[tilespmem:s31+$0x1900] =	vst v15;
	v12 =	vld.idx.msk [tilespmem:v13+s5+$0x0], $0xffff  }
0x97: {  	v15 =	vadd.s32 $0x5E8, v0;
	v13 =	vld.idx.msk [tilespmem:v16+s5+$0x0], $0xffff;
	[tilespmem:s29+$0x9A00] =	vst v8  }
0x98: {  	v8 =	vadd.s32 $0x39C, v2;
	[tilespmem:s26+$0x5A80] =	vst v9;
	v7 =	vld.idx.msk [tilespmem:v7+s5+$0x0], $0xffff  }
0x99: {  	v9 =	vadd.s32 $0x150, v5;
	[tilespmem:s30+$0x1B00] =	vst v14;
	v14 =	vld.idx.msk [tilespmem:v18+s5+$0x0], $0xffff  }
0x9a: {  	v16 =	vadd.s32 $0x738, v3;
	v11 =	vld.idx.msk [tilespmem:v11+s5+$0x0], $0xffff  }
0x9b: {  	s10 =	sadd.s32 $0x1, s10;
	v19 =	vadd.s32 $0x4EC, v1;
	v18 =	vld.idx.msk [tilespmem:v6+s5+$0x0], $0xffff;
	[tilespmem:s22+$0x9880] =	vst v10  }
0x9c: {  	s0 =	sand.u32 $0x7, s10;
	v10 =	vadd.s32 $0x2A0, v4;
	[tilespmem:s28+$0x5900] =	vst v12;
	v12 =	vld.idx.msk [tilespmem:v15+s5+$0x0], $0xffff  }
0x9d: {  	s0 =	sshll.u32 s0, $0x4;
	v15 =	vadd.s32 $0x54, v6;
	[tilespmem:s31+$0x1980] =	vst v13;
	v8 =	vld.idx.msk [tilespmem:v8+s5+$0x0], $0xffff  }
0x9e: {  	s0 =	sadd.s32 s0, s3;
	s3 =	smov.u32 s6;
	s6 =	sadd.s32 $0x80, s6;
	v13 =	vadd.s32 $0x63C, v0;
	v9 =	vld.idx.msk [tilespmem:v9+s5+$0x0], $0xffff;
	[tilespmem:s29+$0x9A80] =	vst v7  }
0x9f: {  	s21 =	sand.u32 $0x70, s21;
	s12 =	sand.u32 $0x3C00, s6;
	s4 =	sor.u32 $0x380, s0;
	v7 =	vadd.s32 $0x3F0, v2;
	[tilespmem:s26+$0x5B00] =	vst v14;
	v14 =	vld.idx.msk [tilespmem:v16+s5+$0x0], $0xffff  }
0xa0: {  	s0 =	sor.u32 s21, s12;
	s21 =	smov.u32 s11;
	v16 =	vadd.s32 $0x1A4, v5;
	[tilespmem:s4+$0x1800] =	vst v11;
	v11 =	vld.idx.msk [tilespmem:v19+s5+$0x0], $0xffff  }
0xa1: {  	[tilespmem:s0+$0x1800] =	vst v18;
	v10 =	vld.idx.msk [tilespmem:v10+s5+$0x0], $0xffff;
	v18 =	vadd.s32 $0x78C, v3;
	v3 =	vmovc v0;
	v0 =	vmovc v1;
	v1 =	vmov v2;
	v2 =	vmov v4  }
0xa2: {  	v4 =	vmovc v5;
	v5 =	vmov v6;
	v6 =	vmov v17;
	v15 =	vld.idx.msk [tilespmem:v15+s5+$0x0], $0xffff;
	v19 =	vadd.s32 $0x540, v0;
	[tilespmem:s22+$0x9900] =	vst v12  }
0xa3: {  	v12 =	vadd.s32 $0x2F4, v2;
	[tilespmem:s28+$0x5980] =	vst v8;
	v8 =	vld.idx.msk [tilespmem:v13+s5+$0x0], $0xffff  }
0xa4: {  	v13 =	vadd.s32 $0xA8, v5;
	[tilespmem:s31+$0x1A00] =	vst v9;
	v7 =	vld.idx.msk [tilespmem:v7+s5+$0x0], $0xffff  }
0xa5: {  	v9 =	vld.idx.msk [tilespmem:v16+s5+$0x0], $0xffff;
	v16 =	vadd.s32 $0x690, v3;
	[tilespmem:s29+$0x9B00] =	vst v14  }
0xa6: {  	v14 =	vadd.s32 $0x444, v1;
	[tilespmem:s26+$0x5B80] =	vst v11;
	v17 =	vld.idx.msk [tilespmem:v18+s5+$0x0], $0xffff  }
0xa7: {  	v18 =	vadd.s32 $0x1F8, v4;
	[tilespmem:s30+$0x5800] =	vst v10;
	v11 =	vld.idx.msk [tilespmem:v19+s5+$0x0], $0xffff  }
.Ltmp0:
0xa8: {  	[tilespmem:s0+$0x1880] =	vst v15;
	v12 =	vld.idx.msk [tilespmem:v12+s5+$0x0], $0xffff;
	(pc) =	sbr.rel @p1 .LBB2_3-.Ltmp0, $4  }
0xa9: {  	v10 =	vadd.s32 $0x594, v0;
	v15 =	vld.idx.msk [tilespmem:v13+s5+$0x0], $0xffff;
	[tilespmem:s22+$0x9980] =	vst v8  }
0xaa: {  	v13 =	vadd.s32 $0x348, v2;
	[tilespmem:s28+$0x5A00] =	vst v7;
	v8 =	vld.idx.msk [tilespmem:v16+s5+$0x0], $0xffff  }
0xab: {  	v16 =	vadd.s32 $0xFC, v5;
	[tilespmem:s31+$0x1A80] =	vst v9;
	v9 =	vld.idx.msk [tilespmem:v14+s5+$0x0], $0xffff  }
0xac: {  	s2 =	sadd.s32 $0x10, s2;
	s11 =	sadd.s32 $0x10, s11;
	v7 =	vadd.s32 $0x6E4, v3;
	v14 =	vld.idx.msk [tilespmem:v18+s5+$0x0], $0xffff;
	[tilespmem:s29+$0x9B80] =	vst v17;
	s29 =	smov.u32 s22  }
0xad: {  	_ =	sdelay $0x3  }
0xae: {  	v17 =	vld.idx.msk [tilespmem:v6+s5+$0x0], $0xffff  }
0xaf: {  	v18 =	vadd.s32 $0x54, v6  }
0xb0: {  	s4 =	sadd.s32 $0x80, s6  }
0xb1: {  	s2 =	sand.u32 $0x70, s21;
	s11 =	sand.u32 $0x3C00, s4  }
0xb2: {  	s2 =	sor.u32 s2, s11  }
0xb3: {  	[tilespmem:s2+$0x1800] =	vst v17  }
0xb4: {  	v17 =	vld.idx.msk [tilespmem:v18+s5+$0x0], $0xffff  }
0xb5: {  	v50 =	vadd.s32 $0xA8, v6;
	_ =	sdelay $0x3  }
0xb6: {  	[tilespmem:s2+$0x1880] =	vst v17  }
0xb7: {  	v17 =	vld.idx.msk [tilespmem:v50+s5+$0x0], $0xffff  }
0xb8: {  	v51 =	vadd.s32 $0xFC, v6;
	_ =	sdelay $0x2  }
0xb9: {  	[tilespmem:s0+$0x1900] =	vst v15  }
0xba: {  	v15 =	vld.idx.msk [tilespmem:v16+s5+$0x0], $0xffff;
	[tilespmem:s2+$0x1900] =	vst v17  }
0xbb: {  	v52 =	vadd.s32 $0x150, v5;
	v17 =	vld.idx.msk [tilespmem:v51+s5+$0x0], $0xffff  }
0xbc: {  	v53 =	vadd.s32 $0x150, v6;
	_ =	sdelay $0x2  }
0xbd: {  	[tilespmem:s0+$0x1980] =	vst v15  }
0xbe: {  	v15 =	vld.idx.msk [tilespmem:v52+s5+$0x0], $0xffff;
	[tilespmem:s2+$0x1980] =	vst v17  }
0xbf: {  	v54 =	vadd.s32 $0x1A4, v5;
	v17 =	vld.idx.msk [tilespmem:v53+s5+$0x0], $0xffff  }
0xc0: {  	v55 =	vadd.s32 $0x1A4, v6;
	_ =	sdelay $0x2  }
0xc1: {  	[tilespmem:s0+$0x1A00] =	vst v15  }
0xc2: {  	v15 =	vld.idx.msk [tilespmem:v54+s5+$0x0], $0xffff;
	[tilespmem:s2+$0x1A00] =	vst v17  }
0xc3: {  	v56 =	vadd.s32 $0x1F8, v5;
	v17 =	vld.idx.msk [tilespmem:v55+s5+$0x0], $0xffff  }
0xc4: {  	v57 =	vadd.s32 $0x1F8, v6;
	_ =	sdelay $0x2  }
0xc5: {  	[tilespmem:s0+$0x1A80] =	vst v15  }
0xc6: {  	v58 =	vadd.s32 $0x24C, v4;
	v16 =	vld.idx.msk [tilespmem:v56+s5+$0x0], $0xffff;
	[tilespmem:s2+$0x1A80] =	vst v17  }
0xc7: {  	v59 =	vadd.s32 $0x24C, v5;
	v18 =	vld.idx.msk [tilespmem:v57+s5+$0x0], $0xffff  }
0xc8: {  	v19 =	vadd.s32 $0x24C, v6;
	_ =	sdelay $0x1  }
0xc9: {  	[tilespmem:s31+$0x1B00] =	vst v14  }
0xca: {  	s10 =	sadd.s32 $0x1, s10;
	v14 =	vld.idx.msk [tilespmem:v58+s5+$0x0], $0xffff;
	[tilespmem:s0+$0x1B00] =	vst v16  }
0xcb: {  	v60 =	vadd.s32 $0x2A0, v4;
	s21 =	sand.u32 $0x7, s10;
	s10 =	sadd.s32 $0x1, s10;
	v16 =	vld.idx.msk [tilespmem:v59+s5+$0x0], $0xffff;
	[tilespmem:s2+$0x1B00] =	vst v18  }
0xcc: {  	v61 =	vadd.s32 $0x2A0, v5;
	s11 =	sshll.u32 s21, $0x4;
	s12 =	sand.u32 $0x7, s10;
	s10 =	sadd.s32 $0x1, s10;
	v18 =	vld.idx.msk [tilespmem:v19+s5+$0x0], $0xffff  }
0xcd: {  	v62 =	vadd.s32 $0x2A0, v6;
	s3 =	sadd.s32 s11, s3;
	s22 =	sshll.u32 s12, $0x4;
	s10 =	sand.u32 $0x7, s10  }
0xce: {  	s3 =	sor.u32 $0x380, s3;
	s12 =	sadd.s32 s22, s6;
	s10 =	sshll.u32 s10, $0x4  }
0xcf: {  	s21 =	sor.u32 $0x380, s12;
	s4 =	sadd.s32 s10, s4;
	[tilespmem:s3+$0x1800] =	vst v14  }
0xd0: {  	s22 =	sor.u32 $0x380, s4;
	v14 =	vld.idx.msk [tilespmem:v60+s5+$0x0], $0xffff;
	[tilespmem:s21+$0x1800] =	vst v16  }
0xd1: {  	v63 =	vadd.s32 $0x2F4, v4;
	v16 =	vld.idx.msk [tilespmem:v61+s5+$0x0], $0xffff;
	[tilespmem:s22+$0x1800] =	vst v18  }
0xd2: {  	v21 =	vadd.s32 $0x2F4, v5;
	v18 =	vld.idx.msk [tilespmem:v62+s5+$0x0], $0xffff  }
0xd3: {  	v22 =	vadd.s32 $0x2F4, v6;
	_ =	sdelay $0x1  }
0xd4: {  	[tilespmem:s31+$0x5800] =	vst v14  }
0xd5: {  	v14 =	vld.idx.msk [tilespmem:v63+s5+$0x0], $0xffff;
	[tilespmem:s0+$0x5800] =	vst v16  }
0xd6: {  	v23 =	vadd.s32 $0x348, v4;
	v16 =	vld.idx.msk [tilespmem:v21+s5+$0x0], $0xffff;
	[tilespmem:s2+$0x5800] =	vst v18  }
0xd7: {  	v24 =	vadd.s32 $0x348, v5;
	v18 =	vld.idx.msk [tilespmem:v22+s5+$0x0], $0xffff  }
0xd8: {  	v25 =	vadd.s32 $0x348, v6  }
0xd9: {  	[tilespmem:s30+$0x5880] =	vst v12  }
0xda: {  	v12 =	vld.idx.msk [tilespmem:v13+s5+$0x0], $0xffff;
	[tilespmem:s31+$0x5880] =	vst v14  }
0xdb: {  	v26 =	vadd.s32 $0x39C, v2;
	v14 =	vld.idx.msk [tilespmem:v23+s5+$0x0], $0xffff;
	[tilespmem:s0+$0x5880] =	vst v16  }
0xdc: {  	v27 =	vadd.s32 $0x39C, v4;
	v16 =	vld.idx.msk [tilespmem:v24+s5+$0x0], $0xffff;
	[tilespmem:s2+$0x5880] =	vst v18  }
0xdd: {  	v28 =	vadd.s32 $0x39C, v5;
	v18 =	vld.idx.msk [tilespmem:v25+s5+$0x0], $0xffff  }
0xde: {  	v29 =	vadd.s32 $0x39C, v6  }
0xdf: {  	[tilespmem:s30+$0x5900] =	vst v12  }
0xe0: {  	v12 =	vld.idx.msk [tilespmem:v26+s5+$0x0], $0xffff;
	[tilespmem:s31+$0x5900] =	vst v14  }
0xe1: {  	v30 =	vadd.s32 $0x3F0, v2;
	v14 =	vld.idx.msk [tilespmem:v27+s5+$0x0], $0xffff;
	[tilespmem:s0+$0x5900] =	vst v16  }
0xe2: {  	v31 =	vadd.s32 $0x3F0, v4;
	v16 =	vld.idx.msk [tilespmem:v28+s5+$0x0], $0xffff;
	[tilespmem:s2+$0x5900] =	vst v18  }
0xe3: {  	v32 =	vadd.s32 $0x3F0, v5;
	v18 =	vld.idx.msk [tilespmem:v29+s5+$0x0], $0xffff  }
0xe4: {  	v33 =	vadd.s32 $0x3F0, v6  }
0xe5: {  	[tilespmem:s30+$0x5980] =	vst v12  }
0xe6: {  	v12 =	vld.idx.msk [tilespmem:v30+s5+$0x0], $0xffff;
	[tilespmem:s31+$0x5980] =	vst v14  }
0xe7: {  	v34 =	vadd.s32 $0x444, v2;
	v14 =	vld.idx.msk [tilespmem:v31+s5+$0x0], $0xffff;
	[tilespmem:s0+$0x5980] =	vst v16  }
0xe8: {  	v35 =	vadd.s32 $0x444, v4;
	v16 =	vld.idx.msk [tilespmem:v32+s5+$0x0], $0xffff;
	[tilespmem:s2+$0x5980] =	vst v18  }
0xe9: {  	v36 =	vadd.s32 $0x444, v5;
	v18 =	vld.idx.msk [tilespmem:v33+s5+$0x0], $0xffff  }
0xea: {  	[tilespmem:s26+$0x9800] =	vst v11;
	v37 =	vadd.s32 $0x444, v6  }
0xeb: {  	v38 =	vadd.s32 $0x498, v1;
	[tilespmem:s30+$0x5A00] =	vst v12  }
0xec: {  	v13 =	vld.idx.msk [tilespmem:v34+s5+$0x0], $0xffff;
	[tilespmem:s31+$0x5A00] =	vst v14  }
0xed: {  	v39 =	vadd.s32 $0x498, v2;
	v15 =	vld.idx.msk [tilespmem:v35+s5+$0x0], $0xffff;
	[tilespmem:s0+$0x5A00] =	vst v16  }
0xee: {  	v40 =	vadd.s32 $0x498, v4;
	v17 =	vld.idx.msk [tilespmem:v36+s5+$0x0], $0xffff;
	[tilespmem:s2+$0x5A00] =	vst v18  }
0xef: {  	v41 =	vadd.s32 $0x498, v5;
	[tilespmem:s28+$0x5A80] =	vst v9;
	v11 =	vld.idx.msk [tilespmem:v37+s5+$0x0], $0xffff  }
0xf0: {  	v42 =	vadd.s32 $0x498, v6;
	[tilespmem:s29+$0x9A00] =	vst v8;
	v12 =	vld.idx.msk [tilespmem:v38+s5+$0x0], $0xffff  }
0xf1: {  	v43 =	vadd.s32 $0x4EC, v1;
	v10 =	vld.idx.msk [tilespmem:v10+s5+$0x0], $0xffff;
	[tilespmem:s30+$0x5A80] =	vst v13  }
0xf2: {  	v14 =	vld.idx.msk [tilespmem:v39+s5+$0x0], $0xffff;
	[tilespmem:s31+$0x5A80] =	vst v15  }
0xf3: {  	v44 =	vadd.s32 $0x4EC, v2;
	v16 =	vld.idx.msk [tilespmem:v40+s5+$0x0], $0xffff;
	[tilespmem:s0+$0x5A80] =	vst v17  }
0xf4: {  	v45 =	vadd.s32 $0x4EC, v4;
	v8 =	vld.idx.msk [tilespmem:v41+s5+$0x0], $0xffff;
	[tilespmem:s2+$0x5A80] =	vst v11  }
0xf5: {  	v46 =	vadd.s32 $0x4EC, v5;
	[tilespmem:s28+$0x5B00] =	vst v12;
	v9 =	vld.idx.msk [tilespmem:v42+s5+$0x0], $0xffff  }
0xf6: {  	v47 =	vadd.s32 $0x4EC, v6;
	[tilespmem:s26+$0x9880] =	vst v10;
	v13 =	vld.idx.msk [tilespmem:v43+s5+$0x0], $0xffff  }
0xf7: {  	v49 =	vadd.s32 $0x540, v1;
	v7 =	vld.idx.msk [tilespmem:v7+s5+$0x0], $0xffff;
	[tilespmem:s30+$0x5B00] =	vst v14  }
0xf8: {  	v48 =	vadd.s32 $0x5E8, v0;
	v15 =	vld.idx.msk [tilespmem:v44+s5+$0x0], $0xffff;
	[tilespmem:s31+$0x5B00] =	vst v16  }
0xf9: {  	v50 =	vadd.s32 $0x540, v2;
	v17 =	vld.idx.msk [tilespmem:v45+s5+$0x0], $0xffff;
	[tilespmem:s0+$0x5B00] =	vst v8  }
0xfa: {  	v51 =	vadd.s32 $0x540, v4;
	v10 =	vld.idx.msk [tilespmem:v46+s5+$0x0], $0xffff;
	[tilespmem:s2+$0x5B00] =	vst v9  }
0xfb: {  	v52 =	vadd.s32 $0x540, v5;
	[tilespmem:s28+$0x5B80] =	vst v13;
	v9 =	vld.idx.msk [tilespmem:v47+s5+$0x0], $0xffff  }
0xfc: {  	[tilespmem:s29+$0x9A80] =	vst v7;
	v54 =	vadd.s32 $0x540, v6;
	v14 =	vld.idx.msk [tilespmem:v49+s5+$0x0], $0xffff  }
0xfd: {  	v56 =	vadd.s32 $0x594, v1;
	v53 =	vld.idx.msk [tilespmem:v48+s5+$0x0], $0xffff;
	[tilespmem:s30+$0x5B80] =	vst v15  }
0xfe: {  	v55 =	vadd.s32 $0x738, v3;
	v16 =	vld.idx.msk [tilespmem:v50+s5+$0x0], $0xffff;
	[tilespmem:s31+$0x5B80] =	vst v17  }
0xff: {  	v57 =	vadd.s32 $0x594, v2;
	v8 =	vld.idx.msk [tilespmem:v51+s5+$0x0], $0xffff;
	[tilespmem:s0+$0x5B80] =	vst v10  }
0x100: {  	v58 =	vadd.s32 $0x594, v4;
	v7 =	vld.idx.msk [tilespmem:v52+s5+$0x0], $0xffff;
	[tilespmem:s2+$0x5B80] =	vst v9  }
0x101: {  	v59 =	vadd.s32 $0x594, v5;
	[tilespmem:s28+$0x9800] =	vst v14;
	v60 =	vld.idx.msk [tilespmem:v54+s5+$0x0], $0xffff  }
0x102: {  	[tilespmem:s26+$0x9900] =	vst v53;
	v62 =	vadd.s32 $0x594, v6;
	v15 =	vld.idx.msk [tilespmem:v56+s5+$0x0], $0xffff  }
0x103: {  	v20 =	vadd.s32 $0x5E8, v1;
	v61 =	vld.idx.msk [tilespmem:v55+s5+$0x0], $0xffff;
	[tilespmem:s30+$0x9800] =	vst v16  }
0x104: {  	v27 =	vadd.s32 $0x78C, v3;
	v17 =	vld.idx.msk [tilespmem:v57+s5+$0x0], $0xffff;
	[tilespmem:s31+$0x9800] =	vst v8  }
0x105: {  	v21 =	vadd.s32 $0x5E8, v2;
	v10 =	vld.idx.msk [tilespmem:v58+s5+$0x0], $0xffff;
	[tilespmem:s0+$0x9800] =	vst v7  }
0x106: {  	v22 =	vadd.s32 $0x5E8, v4;
	v9 =	vld.idx.msk [tilespmem:v59+s5+$0x0], $0xffff;
	[tilespmem:s2+$0x9800] =	vst v60  }
0x107: {  	v23 =	vadd.s32 $0x5E8, v5;
	[tilespmem:s28+$0x9880] =	vst v15;
	v24 =	vld.idx.msk [tilespmem:v62+s5+$0x0], $0xffff  }
0x108: {  	v26 =	vadd.s32 $0x5E8, v6;
	[tilespmem:s29+$0x9B00] =	vst v61;
	v15 =	vld.idx.msk [tilespmem:v20+s5+$0x0], $0xffff  }
0x109: {  	v3 =	vld.idx.msk [tilespmem:v27+s5+$0x0], $0xffff;
	v28 =	vadd.s32 $0x63C, v1;
	[tilespmem:s30+$0x9880] =	vst v17  }
0x10a: {  	v63 =	vadd.s32 $0x63C, v0;
	v8 =	vld.idx.msk [tilespmem:v21+s5+$0x0], $0xffff;
	[tilespmem:s31+$0x9880] =	vst v10  }
0x10b: {  	v29 =	vadd.s32 $0x63C, v2;
	v7 =	vld.idx.msk [tilespmem:v22+s5+$0x0], $0xffff;
	[tilespmem:s0+$0x9880] =	vst v9  }
0x10c: {  	v30 =	vadd.s32 $0x63C, v4;
	v11 =	vld.idx.msk [tilespmem:v23+s5+$0x0], $0xffff;
	[tilespmem:s2+$0x9880] =	vst v24  }
0x10d: {  	v31 =	vadd.s32 $0x63C, v5;
	[tilespmem:s28+$0x9900] =	vst v15;
	v32 =	vld.idx.msk [tilespmem:v26+s5+$0x0], $0xffff  }
0x10e: {  	[tilespmem:s29+$0x9B80] =	vst v3;
	v16 =	vld.idx.msk [tilespmem:v28+s5+$0x0], $0xffff;
	v33 =	vadd.s32 $0x63C, v6  }
0x10f: {  	v35 =	vadd.s32 $0x690, v1;
	v25 =	vld.idx.msk [tilespmem:v63+s5+$0x0], $0xffff;
	[tilespmem:s30+$0x9900] =	vst v8  }
0x110: {  	v34 =	vadd.s32 $0x690, v0;
	v10 =	vld.idx.msk [tilespmem:v29+s5+$0x0], $0xffff;
	[tilespmem:s31+$0x9900] =	vst v7  }
0x111: {  	v36 =	vadd.s32 $0x690, v2;
	v9 =	vld.idx.msk [tilespmem:v30+s5+$0x0], $0xffff;
	[tilespmem:s0+$0x9900] =	vst v11  }
0x112: {  	v37 =	vadd.s32 $0x690, v4;
	v12 =	vld.idx.msk [tilespmem:v31+s5+$0x0], $0xffff;
	[tilespmem:s2+$0x9900] =	vst v32  }
0x113: {  	v38 =	vadd.s32 $0x690, v5;
	[tilespmem:s28+$0x9980] =	vst v16;
	v13 =	vld.idx.msk [tilespmem:v33+s5+$0x0], $0xffff  }
0x114: {  	v40 =	vadd.s32 $0x690, v6;
	[tilespmem:s26+$0x9980] =	vst v25;
	v8 =	vld.idx.msk [tilespmem:v35+s5+$0x0], $0xffff  }
0x115: {  	v39 =	vld.idx.msk [tilespmem:v34+s5+$0x0], $0xffff;
	v42 =	vadd.s32 $0x6E4, v1;
	[tilespmem:s30+$0x9980] =	vst v10  }
0x116: {  	v41 =	vadd.s32 $0x6E4, v0;
	v7 =	vld.idx.msk [tilespmem:v36+s5+$0x0], $0xffff;
	[tilespmem:s31+$0x9980] =	vst v9  }
0x117: {  	v43 =	vadd.s32 $0x6E4, v2;
	v11 =	vld.idx.msk [tilespmem:v37+s5+$0x0], $0xffff;
	[tilespmem:s0+$0x9980] =	vst v12  }
0x118: {  	v44 =	vadd.s32 $0x6E4, v4;
	v3 =	vld.idx.msk [tilespmem:v38+s5+$0x0], $0xffff;
	[tilespmem:s2+$0x9980] =	vst v13  }
0x119: {  	v45 =	vadd.s32 $0x6E4, v5;
	[tilespmem:s28+$0x9A00] =	vst v8;
	v46 =	vld.idx.msk [tilespmem:v40+s5+$0x0], $0xffff  }
0x11a: {  	v48 =	vadd.s32 $0x6E4, v6;
	[tilespmem:s26+$0x9A00] =	vst v39;
	v10 =	vld.idx.msk [tilespmem:v42+s5+$0x0], $0xffff  }
0x11b: {  	v50 =	vadd.s32 $0x738, v1;
	v47 =	vld.idx.msk [tilespmem:v41+s5+$0x0], $0xffff;
	[tilespmem:s30+$0x9A00] =	vst v7  }
0x11c: {  	v49 =	vadd.s32 $0x738, v0;
	v9 =	vld.idx.msk [tilespmem:v43+s5+$0x0], $0xffff;
	[tilespmem:s31+$0x9A00] =	vst v11  }
0x11d: {  	v51 =	vadd.s32 $0x738, v2;
	v12 =	vld.idx.msk [tilespmem:v44+s5+$0x0], $0xffff;
	[tilespmem:s0+$0x9A00] =	vst v3  }
0x11e: {  	v52 =	vadd.s32 $0x738, v4;
	v13 =	vld.idx.msk [tilespmem:v45+s5+$0x0], $0xffff;
	[tilespmem:s2+$0x9A00] =	vst v46  }
0x11f: {  	v53 =	vadd.s32 $0x738, v5;
	[tilespmem:s28+$0x9A80] =	vst v10;
	v8 =	vld.idx.msk [tilespmem:v48+s5+$0x0], $0xffff  }
0x120: {  	[tilespmem:s26+$0x9A80] =	vst v47;
	v7 =	vld.idx.msk [tilespmem:v50+s5+$0x0], $0xffff;
	v54 =	vadd.s32 $0x738, v6  }
0x121: {  	v56 =	vadd.s32 $0x78C, v1;
	v15 =	vld.idx.msk [tilespmem:v49+s5+$0x0], $0xffff;
	[tilespmem:s30+$0x9A80] =	vst v9  }
0x122: {  	v55 =	vadd.s32 $0x78C, v0;
	v9 =	vld.idx.msk [tilespmem:v51+s5+$0x0], $0xffff;
	[tilespmem:s31+$0x9A80] =	vst v12  }
0x123: {  	v57 =	vadd.s32 $0x78C, v2;
	v3 =	vld.idx.msk [tilespmem:v52+s5+$0x0], $0xffff;
	[tilespmem:s0+$0x9A80] =	vst v13  }
0x124: {  	v58 =	vadd.s32 $0x78C, v4;
	v59 =	vld.idx.msk [tilespmem:v53+s5+$0x0], $0xffff;
	[tilespmem:s2+$0x9A80] =	vst v8  }
0x125: {  	[tilespmem:s28+$0x9B00] =	vst v7;
	v60 =	vadd.s32 $0x78C, v5;
	v8 =	vld.idx.msk [tilespmem:v54+s5+$0x0], $0xffff  }
0x126: {  	v61 =	vadd.s32 $0x78C, v6;
	[tilespmem:s26+$0x9B00] =	vst v15;
	v1 =	vld.idx.msk [tilespmem:v56+s5+$0x0], $0xffff  }
0x127: {  	v0 =	vld.idx.msk [tilespmem:v55+s5+$0x0], $0xffff;
	[tilespmem:s30+$0x9B00] =	vst v9  }
0x128: {  	v2 =	vld.idx.msk [tilespmem:v57+s5+$0x0], $0xffff;
	[tilespmem:s31+$0x9B00] =	vst v3  }
0x129: {  	v3 =	vld.idx.msk [tilespmem:v58+s5+$0x0], $0xffff;
	[tilespmem:s0+$0x9B00] =	vst v59  }
0x12a: {  	v62 =	vld.idx.msk [tilespmem:v60+s5+$0x0], $0xffff;
	[tilespmem:s2+$0x9B00] =	vst v8  }
0x12b: {  	[tilespmem:s28+$0x9B80] =	vst v1;
	v63 =	vld.idx.msk [tilespmem:v61+s5+$0x0], $0xffff  }
0x12c: {  	p1 =	sne.s32 s23, $0x7;
	[tilespmem:s26+$0x9B80] =	vst v0  }
.Ltmp1:
0x12d: {  	[tilespmem:s30+$0x9B80] =	vst v2;
	(pc) =	sbr.rel @p1 .LBB2_6-.Ltmp1, $4  }
0x12e: {  	[tilespmem:s31+$0x9B80] =	vst v3  }
0x12f: {  	[tilespmem:s0+$0x9B80] =	vst v62  }
0x130: {  	s31 =	sadd.s32 s25, s8;
	[tilespmem:s2+$0x9B80] =	vst v63  }
0x131: {  	[hbm4b:s31+s15] =	stream.strided.scatter [tilespmem:s17], [sflag:$0x1], $0xC000, s16, s15, $0x38;
	[tilespmem:$0x19800] =	vst v63  }
.Ltmp2:
0x132: {  	(pc) =	sbr.rel .LBB2_7-.Ltmp2, $4  }
0x133: {  	_ = 	snop  }
0x134: {  	_ =	swait.ge [sflag:s18], $0x800  }
0x135: {  	[sflag:s18] =	ssyncset.done $0x0  }
0x136: {  	[sflag:s18] =	ssyncadd.s32 $0xFFFFF800  }
.LBB2_6:
0x137: {  	s0 =	rddreg [dreg:$0x5]  }
0x138: {  	s0 =	sadd.s32 s25, s0  }
0x139: {  	s0 =	sshrl.u32 s0, $0x3  }
.Ltmp3:
0x13a: {  	s2 =	simm.s32 $0x800;
	s0 =	sadd.s32 s1, s0;
	(pc) =	sbr.rel @p0 .LBB2_8-.Ltmp3, $4  }
0x13b: {  	[tilespmem:s2], [sflag:$0x3] =	stream.linear.gather [hbm4b:s0+s5], $0x800, $0x38;
	[tilespmem:$0x19800] =	vst v63  }
0x13c: {  	_ =	swait.ge [sflag:s18], $0x800  }
0x13d: {  	[sflag:s18] =	ssyncset.done $0x0  }
0x13e: {  	[sflag:s18] =	ssyncadd.s32 $0xFFFFF800  }
.LBB2_7:
0x13f: {  	_ =	swait.ge [sflag:s19], $0xC000  }
0x140: {  	[sflag:s19] =	ssyncset.done $0x0  }
0x141: {  	[sflag:s19] =	ssyncadd.s32 $0xFFFF4000  }
.LBB2_8:
0x142: {  	s0 =	simm.s32 $0x1000  }
0x143: {  	v3 =	vld [tilespmem:s0+$0x0];
	_ =	sdelay $0x7  }
0x144: {  	v0 =	vld.idx.msk [tilespmem:v3+s5+$0x0], $0xffff  }
0x145: {  	v1 =	vadd.s32 $0x54, v3  }
0x146: {  	s26 =	simm.s32 $0x0  }
0x147: {  	s2 =	sand.u32 $0x70, s26;
	s3 =	sand.u32 $0x3C00, s26  }
0x148: {  	s28 =	sor.u32 s2, s3  }
0x149: {  	[tilespmem:s28+$0xD800] =	vst v0  }
0x14a: {  	v0 =	vld.idx.msk [tilespmem:v1+s5+$0x0], $0xffff  }
0x14b: {  	v1 =	vadd.s32 $0xA8, v3;
	_ =	sdelay $0x3  }
0x14c: {  	[tilespmem:s28+$0xD880] =	vst v0  }
0x14d: {  	s31 =	simm.s32 $0x1010;
	v1 =	vld.idx.msk [tilespmem:v1+s5+$0x0], $0xffff  }
0x14e: {  	v2 =	vadd.s32 $0xFC, v3;
	v0 =	vld [tilespmem:s31+$0x0];
	_ =	sdelay $0x3  }
0x14f: {  	[tilespmem:s28+$0xD900] =	vst v1  }
0x150: {  	v1 =	vld.idx.msk [tilespmem:v2+s5+$0x0], $0xffff  }
0x151: {  	v2 =	vadd.s32 $0x150, v3;
	_ =	sdelay $0x1  }
0x152: {  	v4 =	vld.idx.msk [tilespmem:v0+s5+$0x0], $0xffff  }
0x153: {  	v5 =	vadd.s32 $0x54, v0  }
0x154: {  	s4 =	simm.s32 $0x80;
	s3 =	simm.s32 $0x10;
	[tilespmem:s28+$0xD980] =	vst v1  }
0x155: {  	s2 =	sand.u32 $0x70, s3;
	s3 =	sand.u32 $0x3C00, s4;
	v1 =	vld.idx.msk [tilespmem:v2+s5+$0x0], $0xffff  }
0x156: {  	s25 =	sor.u32 s2, s3;
	v2 =	vadd.s32 $0x1A4, v3  }
0x157: {  	[tilespmem:s25+$0xD800] =	vst v4  }
0x158: {  	v4 =	vld.idx.msk [tilespmem:v5+s5+$0x0], $0xffff  }
0x159: {  	v5 =	vadd.s32 $0xA8, v0  }
0x15a: {  	[tilespmem:s28+$0xDA00] =	vst v1  }
0x15b: {  	v2 =	vld.idx.msk [tilespmem:v2+s5+$0x0], $0xffff  }
0x15c: {  	v6 =	vadd.s32 $0x1F8, v3  }
0x15d: {  	[tilespmem:s25+$0xD880] =	vst v4  }
0x15e: {  	v4 =	vld.idx.msk [tilespmem:v5+s5+$0x0], $0xffff  }
0x15f: {  	s6 =	simm.s32 $0x1020;
	v5 =	vadd.s32 $0xFC, v0  }
0x160: {  	v1 =	vld [tilespmem:s6+$0x0];
	[tilespmem:s28+$0xDA80] =	vst v2  }
0x161: {  	v2 =	vld.idx.msk [tilespmem:v6+s5+$0x0], $0xffff  }
0x162: {  	v6 =	vadd.s32 $0x24C, v3  }
0x163: {  	[tilespmem:s25+$0xD900] =	vst v4  }
0x164: {  	v4 =	vld.idx.msk [tilespmem:v5+s5+$0x0], $0xffff  }
0x165: {  	v5 =	vadd.s32 $0x150, v0  }
0x166: {  	[tilespmem:s28+$0xDB00] =	vst v2  }
0x167: {  	v2 =	vld.idx.msk [tilespmem:v6+s5+$0x0], $0xffff  }
0x168: {  	s0 =	sand.u32 $0x7, s26;
	v7 =	vadd.s32 $0x2A0, v3;
	v6 =	vld.idx.msk [tilespmem:v1+s5+$0x0], $0xffff  }
0x169: {  	s0 =	sshll.u32 s0, $0x4;
	v8 =	vadd.s32 $0x54, v1;
	[tilespmem:s25+$0xD980] =	vst v4  }
0x16a: {  	s10 =	simm.s32 $0x20;
	s11 =	simm.s32 $0x100;
	s0 =	sadd.s32 $0x0, s0;
	v4 =	vld.idx.msk [tilespmem:v5+s5+$0x0], $0xffff  }
0x16b: {  	s2 =	sand.u32 $0x70, s10;
	s3 =	sand.u32 $0x3C00, s11;
	s0 =	sor.u32 $0x380, s0;
	v5 =	vadd.s32 $0x1A4, v0  }
0x16c: {  	s26 =	sor.u32 s2, s3;
	[tilespmem:s0+$0xD800] =	vst v2  }
0x16d: {  	[tilespmem:s26+$0xD800] =	vst v6;
	v2 =	vld.idx.msk [tilespmem:v7+s5+$0x0], $0xffff  }
0x16e: {  	v6 =	vld.idx.msk [tilespmem:v8+s5+$0x0], $0xffff;
	v7 =	vadd.s32 $0x2F4, v3  }
0x16f: {  	v8 =	vadd.s32 $0xA8, v1;
	[tilespmem:s25+$0xDA00] =	vst v4  }
0x170: {  	v4 =	vld.idx.msk [tilespmem:v5+s5+$0x0], $0xffff  }
0x171: {  	v5 =	vadd.s32 $0x1F8, v0  }
0x172: {  	[tilespmem:s28+$0x11800] =	vst v2  }
0x173: {  	[tilespmem:s26+$0xD880] =	vst v6;
	v6 =	vld.idx.msk [tilespmem:v7+s5+$0x0], $0xffff  }
0x174: {  	s12 =	simm.s32 $0x1030;
	v7 =	vld.idx.msk [tilespmem:v8+s5+$0x0], $0xffff;
	v8 =	vadd.s32 $0x348, v3  }
0x175: {  	v9 =	vadd.s32 $0xFC, v1;
	v2 =	vld [tilespmem:s12+$0x0];
	[tilespmem:s25+$0xDA80] =	vst v4  }
0x176: {  	v4 =	vld.idx.msk [tilespmem:v5+s5+$0x0], $0xffff  }
0x177: {  	v5 =	vadd.s32 $0x24C, v0  }
0x178: {  	[tilespmem:s28+$0x11880] =	vst v6  }
0x179: {  	[tilespmem:s26+$0xD900] =	vst v7;
	v6 =	vld.idx.msk [tilespmem:v8+s5+$0x0], $0xffff  }
0x17a: {  	v7 =	vld.idx.msk [tilespmem:v9+s5+$0x0], $0xffff;
	v8 =	vadd.s32 $0x39C, v3  }
0x17b: {  	v9 =	vadd.s32 $0x150, v1;
	[tilespmem:s25+$0xDB00] =	vst v4  }
0x17c: {  	s21 =	simm.s32 $0x1;
	v4 =	vld.idx.msk [tilespmem:v5+s5+$0x0], $0xffff  }
0x17d: {  	v10 =	vadd.s32 $0x2A0, v0;
	s0 =	sand.u32 $0x7, s21;
	v5 =	vld.idx.msk [tilespmem:v2+s5+$0x0], $0xffff  }
0x17e: {  	s0 =	sshll.u32 s0, $0x4;
	[tilespmem:s28+$0x11900] =	vst v6;
	v6 =	vadd.s32 $0x54, v2  }
0x17f: {  	s22 =	simm.s32 $0x30;
	s31 =	simm.s32 $0x180;
	s0 =	sadd.s32 $0x80, s0;
	[tilespmem:s26+$0xD980] =	vst v7;
	v7 =	vld.idx.msk [tilespmem:v8+s5+$0x0], $0xffff  }
0x180: {  	s2 =	sand.u32 $0x70, s22;
	s3 =	sand.u32 $0x3C00, s31;
	s0 =	sor.u32 $0x380, s0;
	v8 =	vld.idx.msk [tilespmem:v9+s5+$0x0], $0xffff;
	v9 =	vadd.s32 $0x3F0, v3  }
0x181: {  	s29 =	sor.u32 s2, s3;
	v11 =	vadd.s32 $0x1A4, v1;
	[tilespmem:s0+$0xD800] =	vst v4  }
0x182: {  	[tilespmem:s29+$0xD800] =	vst v5;
	v4 =	vld.idx.msk [tilespmem:v10+s5+$0x0], $0xffff  }
0x183: {  	v5 =	vld.idx.msk [tilespmem:v6+s5+$0x0], $0xffff;
	v6 =	vadd.s32 $0x2F4, v0  }
0x184: {  	[tilespmem:s28+$0x11980] =	vst v7;
	v7 =	vadd.s32 $0xA8, v2  }
0x185: {  	[tilespmem:s26+$0xDA00] =	vst v8;
	v8 =	vld.idx.msk [tilespmem:v9+s5+$0x0], $0xffff  }
0x186: {  	v10 =	vadd.s32 $0x444, v3;
	v9 =	vld.idx.msk [tilespmem:v11+s5+$0x0], $0xffff  }
0x187: {  	v11 =	vadd.s32 $0x1F8, v1;
	[tilespmem:s25+$0x11800] =	vst v4  }
0x188: {  	[tilespmem:s29+$0xD880] =	vst v5;
	v5 =	vld.idx.msk [tilespmem:v6+s5+$0x0], $0xffff  }
0x189: {  	s4 =	simm.s32 $0x1040;
	v6 =	vld.idx.msk [tilespmem:v7+s5+$0x0], $0xffff;
	v7 =	vadd.s32 $0x348, v0  }
0x18a: {  	v4 =	vld [tilespmem:s4+$0x0];
	[tilespmem:s28+$0x11A00] =	vst v8;
	v8 =	vadd.s32 $0xFC, v2  }
0x18b: {  	[tilespmem:s26+$0xDA80] =	vst v9;
	v9 =	vld.idx.msk [tilespmem:v10+s5+$0x0], $0xffff  }
0x18c: {  	v10 =	vld.idx.msk [tilespmem:v11+s5+$0x0], $0xffff;
	v11 =	vadd.s32 $0x498, v3  }
0x18d: {  	v12 =	vadd.s32 $0x24C, v1;
	[tilespmem:s25+$0x11880] =	vst v5  }
0x18e: {  	[tilespmem:s29+$0xD900] =	vst v6;
	v5 =	vld.idx.msk [tilespmem:v7+s5+$0x0], $0xffff  }
0x18f: {  	v7 =	vadd.s32 $0x39C, v0;
	v6 =	vld.idx.msk [tilespmem:v8+s5+$0x0], $0xffff  }
0x190: {  	v8 =	vadd.s32 $0x150, v2;
	[tilespmem:s28+$0x11A80] =	vst v9  }
0x191: {  	[tilespmem:s26+$0xDB00] =	vst v10;
	v9 =	vld.idx.msk [tilespmem:v11+s5+$0x0], $0xffff  }
0x192: {  	s6 =	simm.s32 $0x2;
	v10 =	vld.idx.msk [tilespmem:v12+s5+$0x0], $0xffff;
	v11 =	vadd.s32 $0x4EC, v3  }
0x193: {  	v13 =	vadd.s32 $0x2A0, v1;
	s0 =	sand.u32 $0x7, s6;
	v12 =	vld.idx.msk [tilespmem:v4+s5+$0x0], $0xffff;
	[tilespmem:s25+$0x11900] =	vst v5  }
0x194: {  	s0 =	sshll.u32 s0, $0x4;
	v5 =	vadd.s32 $0x54, v4;
	[tilespmem:s29+$0xD980] =	vst v6;
	v6 =	vld.idx.msk [tilespmem:v7+s5+$0x0], $0xffff  }
0x195: {  	s10 =	simm.s32 $0x40;
	s3 =	simm.s32 $0x200;
	s0 =	sadd.s32 $0x100, s0;
	v7 =	vld.idx.msk [tilespmem:v8+s5+$0x0], $0xffff;
	v8 =	vadd.s32 $0x3F0, v0  }
0x196: {  	s2 =	sand.u32 $0x70, s10;
	s0 =	sor.u32 $0x380, s0;
	s4 =	sand.u32 $0x3C00, s3;
	[tilespmem:s28+$0x11B00] =	vst v9;
	v9 =	vadd.s32 $0x1A4, v2  }
0x197: {  	s30 =	sor.u32 s2, s4;
	[tilespmem:s0+$0xD800] =	vst v10;
	v10 =	vld.idx.msk [tilespmem:v11+s5+$0x0], $0xffff  }
0x198: {  	[tilespmem:s30+$0xD800] =	vst v12;
	v12 =	vadd.s32 $0x540, v3;
	v11 =	vld.idx.msk [tilespmem:v13+s5+$0x0], $0xffff  }
0x199: {  	v14 =	vadd.s32 $0x2F4, v1;
	v13 =	vld.idx.msk [tilespmem:v5+s5+$0x0], $0xffff;
	[tilespmem:s25+$0x11980] =	vst v6  }
0x19a: {  	v6 =	vadd.s32 $0xA8, v4;
	[tilespmem:s29+$0xDA00] =	vst v7;
	v7 =	vld.idx.msk [tilespmem:v8+s5+$0x0], $0xffff  }
0x19b: {  	s11 =	simm.s32 $0x1050;
	v8 =	vld.idx.msk [tilespmem:v9+s5+$0x0], $0xffff;
	v9 =	vadd.s32 $0x444, v0  }
0x19c: {  	v5 =	vld [tilespmem:s11+$0x0];
	[tilespmem:s28+$0x11B80] =	vst v10;
	v10 =	vadd.s32 $0x1F8, v2  }
0x19d: {  	[tilespmem:s26+$0x11800] =	vst v11;
	v11 =	vld.idx.msk [tilespmem:v12+s5+$0x0], $0xffff  }
0x19e: {  	[tilespmem:s30+$0xD880] =	vst v13;
	v12 =	vld.idx.msk [tilespmem:v14+s5+$0x0], $0xffff;
	v13 =	vadd.s32 $0x594, v3  }
0x19f: {  	v15 =	vadd.s32 $0x348, v1;
	v14 =	vld.idx.msk [tilespmem:v6+s5+$0x0], $0xffff;
	[tilespmem:s25+$0x11A00] =	vst v7  }
0x1a0: {  	v7 =	vadd.s32 $0xFC, v4;
	[tilespmem:s29+$0xDA80] =	vst v8;
	v8 =	vld.idx.msk [tilespmem:v9+s5+$0x0], $0xffff  }
0x1a1: {  	s12 =	simm.s32 $0x1060;
	v9 =	vld.idx.msk [tilespmem:v10+s5+$0x0], $0xffff;
	v10 =	vadd.s32 $0x498, v0  }
0x1a2: {  	v6 =	vld [tilespmem:s12+$0x0];
	[tilespmem:s28+$0x15800] =	vst v11;
	v11 =	vadd.s32 $0x24C, v2  }
0x1a3: {  	[tilespmem:s26+$0x11880] =	vst v12;
	v12 =	vld.idx.msk [tilespmem:v13+s5+$0x0], $0xffff  }
0x1a4: {  	[tilespmem:s30+$0xD900] =	vst v14;
	v13 =	vld.idx.msk [tilespmem:v15+s5+$0x0], $0xffff;
	v14 =	vadd.s32 $0x5E8, v3  }
0x1a5: {  	v15 =	vadd.s32 $0x39C, v1;
	v7 =	vld.idx.msk [tilespmem:v7+s5+$0x0], $0xffff;
	[tilespmem:s25+$0x11A80] =	vst v8  }
0x1a6: {  	v8 =	vadd.s32 $0x150, v4;
	[tilespmem:s29+$0xDB00] =	vst v9;
	v9 =	vld.idx.msk [tilespmem:v10+s5+$0x0], $0xffff  }
0x1a7: {  	s10 =	simm.s32 $0x3;
	v10 =	vld.idx.msk [tilespmem:v11+s5+$0x0], $0xffff;
	v11 =	vadd.s32 $0x4EC, v0  }
0x1a8: {  	s21 =	sand.u32 $0x7, s10;
	v16 =	vld.idx.msk [tilespmem:v5+s5+$0x0], $0xffff;
	[tilespmem:s28+$0x15880] =	vst v12;
	v12 =	vadd.s32 $0x2A0, v2  }
0x1a9: {  	s0 =	sshll.u32 s21, $0x4;
	[tilespmem:s26+$0x11900] =	vst v13;
	v13 =	vld.idx.msk [tilespmem:v14+s5+$0x0], $0xffff;
	v14 =	vadd.s32 $0x54, v5  }
0x1aa: {  	s22 =	simm.s32 $0x50;
	s6 =	simm.s32 $0x280;
	s0 =	sadd.s32 $0x180, s0;
	[tilespmem:s30+$0xD980] =	vst v7;
	v7 =	vld.idx.msk [tilespmem:v15+s5+$0x0], $0xffff;
	v15 =	vadd.s32 $0x63C, v3  }
0x1ab: {  	v17 =	vadd.s32 $0x3F0, v1;
	s31 =	sand.u32 $0x3C00, s6;
	s2 =	sand.u32 $0x70, s22;
	s11 =	sor.u32 $0x380, s0;
	v8 =	vld.idx.msk [tilespmem:v8+s5+$0x0], $0xffff;
	[tilespmem:s25+$0x11B00] =	vst v9  }
0x1ac: {  	s0 =	sor.u32 s2, s31;
	v9 =	vadd.s32 $0x1A4, v4;
	[tilespmem:s11+$0xD800] =	vst v10;
	v10 =	vld.idx.msk [tilespmem:v11+s5+$0x0], $0xffff  }
0x1ad: {  	[tilespmem:s0+$0xD800] =	vst v16;
	v11 =	vld.idx.msk [tilespmem:v12+s5+$0x0], $0xffff;
	v12 =	vadd.s32 $0x540, v0  }
0x1ae: {  	v14 =	vld.idx.msk [tilespmem:v14+s5+$0x0], $0xffff;
	[tilespmem:s28+$0x15900] =	vst v13;
	v13 =	vadd.s32 $0x2F4, v2  }
0x1af: {  	[tilespmem:s26+$0x11980] =	vst v7;
	v7 =	vld.idx.msk [tilespmem:v15+s5+$0x0], $0xffff;
	v15 =	vadd.s32 $0xA8, v5  }
0x1b0: {  	v16 =	vadd.s32 $0x690, v3;
	[tilespmem:s30+$0xDA00] =	vst v8;
	v8 =	vld.idx.msk [tilespmem:v17+s5+$0x0], $0xffff  }
0x1b1: {  	v17 =	vadd.s32 $0x444, v1;
	v9 =	vld.idx.msk [tilespmem:v9+s5+$0x0], $0xffff;
	[tilespmem:s25+$0x11B80] =	vst v10  }
0x1b2: {  	v18 =	vadd.s32 $0x1F8, v4;
	[tilespmem:s29+$0x11800] =	vst v11;
	v11 =	vld.idx.msk [tilespmem:v12+s5+$0x0], $0xffff  }
0x1b3: {  	[tilespmem:s0+$0xD880] =	vst v14;
	v12 =	vld.idx.msk [tilespmem:v13+s5+$0x0], $0xffff  }
0x1b4: {  	v10 =	vadd.s32 $0x594, v0;
	v15 =	vld.idx.msk [tilespmem:v15+s5+$0x0], $0xffff;
	[tilespmem:s28+$0x15980] =	vst v7  }
0x1b5: {  	v13 =	vadd.s32 $0x348, v2;
	[tilespmem:s26+$0x11A00] =	vst v8;
	v8 =	vld.idx.msk [tilespmem:v16+s5+$0x0], $0xffff  }
0x1b6: {  	[tilespmem:s30+$0xDA80] =	vst v9;
	v9 =	vld.idx.msk [tilespmem:v17+s5+$0x0], $0xffff;
	v16 =	vadd.s32 $0xFC, v5  }
0x1b7: {  	s21 =	simm.s32 $0x60;
	s2 =	simm.s32 $0x1070;
	s11 =	simm.s32 $0x70;
	v7 =	vadd.s32 $0x6E4, v3;
	v14 =	vld.idx.msk [tilespmem:v18+s5+$0x0], $0xffff  }
.LBB2_9:
0x1b8: {  	v17 =	vld [tilespmem:s2+$0x0];
	p0 =	sne.s32 s11, $0x7F0;
	v18 =	vadd.s32 $0x498, v1;
	[tilespmem:s25+$0x15800] =	vst v11;
	s22 =	smov.u32 s25;
	s25 =	smov.u32 s26  }
0x1b9: {  	v11 =	vadd.s32 $0x24C, v4;
	s26 =	smov.u32 s29;
	[tilespmem:s29+$0x11880] =	vst v12;
	v10 =	vld.idx.msk [tilespmem:v10+s5+$0x0], $0xffff;
	s29 =	smov.u32 s30;
	s30 =	smov.u32 s0  }
0x1ba: {  	[tilespmem:s30+$0xD900] =	vst v15;
	v12 =	vld.idx.msk [tilespmem:v13+s5+$0x0], $0xffff  }
0x1bb: {  	v15 =	vadd.s32 $0x5E8, v0;
	v13 =	vld.idx.msk [tilespmem:v16+s5+$0x0], $0xffff;
	[tilespmem:s28+$0x15A00] =	vst v8  }
0x1bc: {  	v8 =	vadd.s32 $0x39C, v2;
	[tilespmem:s25+$0x11A80] =	vst v9;
	v7 =	vld.idx.msk [tilespmem:v7+s5+$0x0], $0xffff  }
0x1bd: {  	v9 =	vadd.s32 $0x150, v5;
	[tilespmem:s29+$0xDB00] =	vst v14;
	v14 =	vld.idx.msk [tilespmem:v18+s5+$0x0], $0xffff  }
0x1be: {  	v16 =	vadd.s32 $0x738, v3;
	v11 =	vld.idx.msk [tilespmem:v11+s5+$0x0], $0xffff  }
0x1bf: {  	s10 =	sadd.s32 $0x1, s10;
	v19 =	vadd.s32 $0x4EC, v1;
	v18 =	vld.idx.msk [tilespmem:v6+s5+$0x0], $0xffff;
	[tilespmem:s22+$0x15880] =	vst v10  }
0x1c0: {  	s0 =	sand.u32 $0x7, s10;
	v10 =	vadd.s32 $0x2A0, v4;
	[tilespmem:s26+$0x11900] =	vst v12;
	v12 =	vld.idx.msk [tilespmem:v15+s5+$0x0], $0xffff  }
0x1c1: {  	s0 =	sshll.u32 s0, $0x4;
	v15 =	vadd.s32 $0x54, v6;
	[tilespmem:s30+$0xD980] =	vst v13;
	v8 =	vld.idx.msk [tilespmem:v8+s5+$0x0], $0xffff  }
0x1c2: {  	s0 =	sadd.s32 s0, s3;
	s3 =	smov.u32 s6;
	s6 =	sadd.s32 $0x80, s6;
	v13 =	vadd.s32 $0x63C, v0;
	v9 =	vld.idx.msk [tilespmem:v9+s5+$0x0], $0xffff;
	[tilespmem:s28+$0x15A80] =	vst v7  }
0x1c3: {  	s4 =	sand.u32 $0x70, s21;
	s12 =	sand.u32 $0x3C00, s6;
	s21 =	sor.u32 $0x380, s0;
	v7 =	vadd.s32 $0x3F0, v2;
	[tilespmem:s25+$0x11B00] =	vst v14;
	v14 =	vld.idx.msk [tilespmem:v16+s5+$0x0], $0xffff  }
0x1c4: {  	s0 =	sor.u32 s4, s12;
	v16 =	vadd.s32 $0x1A4, v5;
	[tilespmem:s21+$0xD800] =	vst v11;
	v11 =	vld.idx.msk [tilespmem:v19+s5+$0x0], $0xffff;
	s21 =	smov.u32 s11  }
0x1c5: {  	[tilespmem:s0+$0xD800] =	vst v18;
	v10 =	vld.idx.msk [tilespmem:v10+s5+$0x0], $0xffff;
	v18 =	vadd.s32 $0x78C, v3;
	v3 =	vmovc v0;
	v0 =	vmovc v1;
	v1 =	vmov v2;
	v2 =	vmov v4  }
0x1c6: {  	v4 =	vmovc v5;
	v5 =	vmov v6;
	v6 =	vmov v17;
	v15 =	vld.idx.msk [tilespmem:v15+s5+$0x0], $0xffff;
	v19 =	vadd.s32 $0x540, v0;
	[tilespmem:s22+$0x15900] =	vst v12  }
0x1c7: {  	v12 =	vadd.s32 $0x2F4, v2;
	[tilespmem:s26+$0x11980] =	vst v8;
	v8 =	vld.idx.msk [tilespmem:v13+s5+$0x0], $0xffff  }
0x1c8: {  	v13 =	vadd.s32 $0xA8, v5;
	[tilespmem:s30+$0xDA00] =	vst v9;
	v7 =	vld.idx.msk [tilespmem:v7+s5+$0x0], $0xffff  }
0x1c9: {  	v9 =	vld.idx.msk [tilespmem:v16+s5+$0x0], $0xffff;
	v16 =	vadd.s32 $0x690, v3;
	[tilespmem:s28+$0x15B00] =	vst v14  }
0x1ca: {  	v14 =	vadd.s32 $0x444, v1;
	[tilespmem:s25+$0x11B80] =	vst v11;
	v17 =	vld.idx.msk [tilespmem:v18+s5+$0x0], $0xffff  }
0x1cb: {  	v18 =	vadd.s32 $0x1F8, v4;
	[tilespmem:s29+$0x11800] =	vst v10;
	v11 =	vld.idx.msk [tilespmem:v19+s5+$0x0], $0xffff  }
.Ltmp4:
0x1cc: {  	[tilespmem:s0+$0xD880] =	vst v15;
	v12 =	vld.idx.msk [tilespmem:v12+s5+$0x0], $0xffff;
	(pc) =	sbr.rel @p0 .LBB2_9-.Ltmp4, $4  }
0x1cd: {  	v10 =	vadd.s32 $0x594, v0;
	v15 =	vld.idx.msk [tilespmem:v13+s5+$0x0], $0xffff;
	[tilespmem:s22+$0x15980] =	vst v8  }
0x1ce: {  	v13 =	vadd.s32 $0x348, v2;
	[tilespmem:s26+$0x11A00] =	vst v7;
	v8 =	vld.idx.msk [tilespmem:v16+s5+$0x0], $0xffff  }
0x1cf: {  	v16 =	vadd.s32 $0xFC, v5;
	[tilespmem:s30+$0xDA80] =	vst v9;
	v9 =	vld.idx.msk [tilespmem:v14+s5+$0x0], $0xffff  }
0x1d0: {  	s2 =	sadd.s32 $0x10, s2;
	s11 =	sadd.s32 $0x10, s11;
	v7 =	vadd.s32 $0x6E4, v3;
	v14 =	vld.idx.msk [tilespmem:v18+s5+$0x0], $0xffff;
	[tilespmem:s28+$0x15B80] =	vst v17;
	s28 =	smov.u32 s22  }
0x1d1: {  	_ =	sdelay $0x3  }
0x1d2: {  	v17 =	vld.idx.msk [tilespmem:v6+s5+$0x0], $0xffff  }
0x1d3: {  	v18 =	vadd.s32 $0x54, v6  }
0x1d4: {  	s4 =	sadd.s32 $0x80, s6  }
0x1d5: {  	s2 =	sand.u32 $0x70, s21;
	s11 =	sand.u32 $0x3C00, s4  }
0x1d6: {  	s2 =	sor.u32 s2, s11  }
0x1d7: {  	[tilespmem:s2+$0xD800] =	vst v17  }
0x1d8: {  	v17 =	vld.idx.msk [tilespmem:v18+s5+$0x0], $0xffff  }
0x1d9: {  	v50 =	vadd.s32 $0xA8, v6;
	_ =	sdelay $0x3  }
0x1da: {  	[tilespmem:s2+$0xD880] =	vst v17  }
0x1db: {  	v17 =	vld.idx.msk [tilespmem:v50+s5+$0x0], $0xffff  }
0x1dc: {  	v51 =	vadd.s32 $0xFC, v6;
	_ =	sdelay $0x2  }
0x1dd: {  	[tilespmem:s0+$0xD900] =	vst v15  }
0x1de: {  	v15 =	vld.idx.msk [tilespmem:v16+s5+$0x0], $0xffff;
	[tilespmem:s2+$0xD900] =	vst v17  }
0x1df: {  	v52 =	vadd.s32 $0x150, v5;
	v17 =	vld.idx.msk [tilespmem:v51+s5+$0x0], $0xffff  }
0x1e0: {  	v53 =	vadd.s32 $0x150, v6;
	_ =	sdelay $0x2  }
0x1e1: {  	[tilespmem:s0+$0xD980] =	vst v15  }
0x1e2: {  	v15 =	vld.idx.msk [tilespmem:v52+s5+$0x0], $0xffff;
	[tilespmem:s2+$0xD980] =	vst v17  }
0x1e3: {  	v54 =	vadd.s32 $0x1A4, v5;
	v17 =	vld.idx.msk [tilespmem:v53+s5+$0x0], $0xffff  }
0x1e4: {  	v55 =	vadd.s32 $0x1A4, v6;
	_ =	sdelay $0x2  }
0x1e5: {  	[tilespmem:s0+$0xDA00] =	vst v15  }
0x1e6: {  	v15 =	vld.idx.msk [tilespmem:v54+s5+$0x0], $0xffff;
	[tilespmem:s2+$0xDA00] =	vst v17  }
0x1e7: {  	v56 =	vadd.s32 $0x1F8, v5;
	v17 =	vld.idx.msk [tilespmem:v55+s5+$0x0], $0xffff  }
0x1e8: {  	v57 =	vadd.s32 $0x1F8, v6;
	_ =	sdelay $0x2  }
0x1e9: {  	[tilespmem:s0+$0xDA80] =	vst v15  }
0x1ea: {  	v58 =	vadd.s32 $0x24C, v4;
	v16 =	vld.idx.msk [tilespmem:v56+s5+$0x0], $0xffff;
	[tilespmem:s2+$0xDA80] =	vst v17  }
0x1eb: {  	v59 =	vadd.s32 $0x24C, v5;
	v18 =	vld.idx.msk [tilespmem:v57+s5+$0x0], $0xffff  }
0x1ec: {  	v19 =	vadd.s32 $0x24C, v6;
	_ =	sdelay $0x1  }
0x1ed: {  	[tilespmem:s30+$0xDB00] =	vst v14  }
0x1ee: {  	s10 =	sadd.s32 $0x1, s10;
	v14 =	vld.idx.msk [tilespmem:v58+s5+$0x0], $0xffff;
	[tilespmem:s0+$0xDB00] =	vst v16  }
0x1ef: {  	v60 =	vadd.s32 $0x2A0, v4;
	s22 =	sand.u32 $0x7, s10;
	s10 =	sadd.s32 $0x1, s10;
	v16 =	vld.idx.msk [tilespmem:v59+s5+$0x0], $0xffff;
	[tilespmem:s2+$0xDB00] =	vst v18  }
0x1f0: {  	v61 =	vadd.s32 $0x2A0, v5;
	s11 =	sshll.u32 s22, $0x4;
	s12 =	sand.u32 $0x7, s10;
	s10 =	sadd.s32 $0x1, s10;
	v18 =	vld.idx.msk [tilespmem:v19+s5+$0x0], $0xffff  }
0x1f1: {  	v62 =	vadd.s32 $0x2A0, v6;
	s3 =	sadd.s32 s11, s3;
	s31 =	sshll.u32 s12, $0x4;
	s10 =	sand.u32 $0x7, s10  }
0x1f2: {  	s3 =	sor.u32 $0x380, s3;
	s12 =	sadd.s32 s31, s6;
	s10 =	sshll.u32 s10, $0x4  }
0x1f3: {  	s21 =	sor.u32 $0x380, s12;
	s4 =	sadd.s32 s10, s4;
	[tilespmem:s3+$0xD800] =	vst v14  }
0x1f4: {  	s22 =	sor.u32 $0x380, s4;
	v14 =	vld.idx.msk [tilespmem:v60+s5+$0x0], $0xffff;
	[tilespmem:s21+$0xD800] =	vst v16  }
0x1f5: {  	v63 =	vadd.s32 $0x2F4, v4;
	v16 =	vld.idx.msk [tilespmem:v61+s5+$0x0], $0xffff;
	[tilespmem:s22+$0xD800] =	vst v18  }
0x1f6: {  	v21 =	vadd.s32 $0x2F4, v5;
	v18 =	vld.idx.msk [tilespmem:v62+s5+$0x0], $0xffff  }
0x1f7: {  	v22 =	vadd.s32 $0x2F4, v6;
	_ =	sdelay $0x1  }
0x1f8: {  	[tilespmem:s30+$0x11800] =	vst v14  }
0x1f9: {  	v14 =	vld.idx.msk [tilespmem:v63+s5+$0x0], $0xffff;
	[tilespmem:s0+$0x11800] =	vst v16  }
0x1fa: {  	v23 =	vadd.s32 $0x348, v4;
	v16 =	vld.idx.msk [tilespmem:v21+s5+$0x0], $0xffff;
	[tilespmem:s2+$0x11800] =	vst v18  }
0x1fb: {  	v24 =	vadd.s32 $0x348, v5;
	v18 =	vld.idx.msk [tilespmem:v22+s5+$0x0], $0xffff  }
0x1fc: {  	v25 =	vadd.s32 $0x348, v6  }
0x1fd: {  	[tilespmem:s29+$0x11880] =	vst v12  }
0x1fe: {  	v12 =	vld.idx.msk [tilespmem:v13+s5+$0x0], $0xffff;
	[tilespmem:s30+$0x11880] =	vst v14  }
0x1ff: {  	v26 =	vadd.s32 $0x39C, v2;
	v14 =	vld.idx.msk [tilespmem:v23+s5+$0x0], $0xffff;
	[tilespmem:s0+$0x11880] =	vst v16  }
0x200: {  	v27 =	vadd.s32 $0x39C, v4;
	v16 =	vld.idx.msk [tilespmem:v24+s5+$0x0], $0xffff;
	[tilespmem:s2+$0x11880] =	vst v18  }
0x201: {  	v28 =	vadd.s32 $0x39C, v5;
	v18 =	vld.idx.msk [tilespmem:v25+s5+$0x0], $0xffff  }
0x202: {  	v29 =	vadd.s32 $0x39C, v6  }
0x203: {  	[tilespmem:s29+$0x11900] =	vst v12  }
0x204: {  	v12 =	vld.idx.msk [tilespmem:v26+s5+$0x0], $0xffff;
	[tilespmem:s30+$0x11900] =	vst v14  }
0x205: {  	v30 =	vadd.s32 $0x3F0, v2;
	v14 =	vld.idx.msk [tilespmem:v27+s5+$0x0], $0xffff;
	[tilespmem:s0+$0x11900] =	vst v16  }
0x206: {  	v31 =	vadd.s32 $0x3F0, v4;
	v16 =	vld.idx.msk [tilespmem:v28+s5+$0x0], $0xffff;
	[tilespmem:s2+$0x11900] =	vst v18  }
0x207: {  	v32 =	vadd.s32 $0x3F0, v5;
	v18 =	vld.idx.msk [tilespmem:v29+s5+$0x0], $0xffff  }
0x208: {  	v33 =	vadd.s32 $0x3F0, v6  }
0x209: {  	[tilespmem:s29+$0x11980] =	vst v12  }
0x20a: {  	v12 =	vld.idx.msk [tilespmem:v30+s5+$0x0], $0xffff;
	[tilespmem:s30+$0x11980] =	vst v14  }
0x20b: {  	v34 =	vadd.s32 $0x444, v2;
	v14 =	vld.idx.msk [tilespmem:v31+s5+$0x0], $0xffff;
	[tilespmem:s0+$0x11980] =	vst v16  }
0x20c: {  	v35 =	vadd.s32 $0x444, v4;
	v16 =	vld.idx.msk [tilespmem:v32+s5+$0x0], $0xffff;
	[tilespmem:s2+$0x11980] =	vst v18  }
0x20d: {  	v36 =	vadd.s32 $0x444, v5;
	v18 =	vld.idx.msk [tilespmem:v33+s5+$0x0], $0xffff  }
0x20e: {  	[tilespmem:s25+$0x15800] =	vst v11;
	v37 =	vadd.s32 $0x444, v6  }
0x20f: {  	v38 =	vadd.s32 $0x498, v1;
	[tilespmem:s29+$0x11A00] =	vst v12  }
0x210: {  	v13 =	vld.idx.msk [tilespmem:v34+s5+$0x0], $0xffff;
	[tilespmem:s30+$0x11A00] =	vst v14  }
0x211: {  	v39 =	vadd.s32 $0x498, v2;
	v15 =	vld.idx.msk [tilespmem:v35+s5+$0x0], $0xffff;
	[tilespmem:s0+$0x11A00] =	vst v16  }
0x212: {  	v40 =	vadd.s32 $0x498, v4;
	v17 =	vld.idx.msk [tilespmem:v36+s5+$0x0], $0xffff;
	[tilespmem:s2+$0x11A00] =	vst v18  }
0x213: {  	v41 =	vadd.s32 $0x498, v5;
	[tilespmem:s26+$0x11A80] =	vst v9;
	v11 =	vld.idx.msk [tilespmem:v37+s5+$0x0], $0xffff  }
0x214: {  	v42 =	vadd.s32 $0x498, v6;
	[tilespmem:s28+$0x15A00] =	vst v8;
	v12 =	vld.idx.msk [tilespmem:v38+s5+$0x0], $0xffff  }
0x215: {  	v43 =	vadd.s32 $0x4EC, v1;
	v10 =	vld.idx.msk [tilespmem:v10+s5+$0x0], $0xffff;
	[tilespmem:s29+$0x11A80] =	vst v13  }
0x216: {  	v14 =	vld.idx.msk [tilespmem:v39+s5+$0x0], $0xffff;
	[tilespmem:s30+$0x11A80] =	vst v15  }
0x217: {  	v44 =	vadd.s32 $0x4EC, v2;
	v16 =	vld.idx.msk [tilespmem:v40+s5+$0x0], $0xffff;
	[tilespmem:s0+$0x11A80] =	vst v17  }
0x218: {  	v45 =	vadd.s32 $0x4EC, v4;
	v8 =	vld.idx.msk [tilespmem:v41+s5+$0x0], $0xffff;
	[tilespmem:s2+$0x11A80] =	vst v11  }
0x219: {  	v46 =	vadd.s32 $0x4EC, v5;
	[tilespmem:s26+$0x11B00] =	vst v12;
	v9 =	vld.idx.msk [tilespmem:v42+s5+$0x0], $0xffff  }
0x21a: {  	v47 =	vadd.s32 $0x4EC, v6;
	[tilespmem:s25+$0x15880] =	vst v10;
	v13 =	vld.idx.msk [tilespmem:v43+s5+$0x0], $0xffff  }
0x21b: {  	v49 =	vadd.s32 $0x540, v1;
	v7 =	vld.idx.msk [tilespmem:v7+s5+$0x0], $0xffff;
	[tilespmem:s29+$0x11B00] =	vst v14  }
0x21c: {  	v48 =	vadd.s32 $0x5E8, v0;
	v15 =	vld.idx.msk [tilespmem:v44+s5+$0x0], $0xffff;
	[tilespmem:s30+$0x11B00] =	vst v16  }
0x21d: {  	v50 =	vadd.s32 $0x540, v2;
	v17 =	vld.idx.msk [tilespmem:v45+s5+$0x0], $0xffff;
	[tilespmem:s0+$0x11B00] =	vst v8  }
0x21e: {  	v51 =	vadd.s32 $0x540, v4;
	v10 =	vld.idx.msk [tilespmem:v46+s5+$0x0], $0xffff;
	[tilespmem:s2+$0x11B00] =	vst v9  }
0x21f: {  	v52 =	vadd.s32 $0x540, v5;
	[tilespmem:s26+$0x11B80] =	vst v13;
	v9 =	vld.idx.msk [tilespmem:v47+s5+$0x0], $0xffff  }
0x220: {  	[tilespmem:s28+$0x15A80] =	vst v7;
	v54 =	vadd.s32 $0x540, v6;
	v14 =	vld.idx.msk [tilespmem:v49+s5+$0x0], $0xffff  }
0x221: {  	v56 =	vadd.s32 $0x594, v1;
	v53 =	vld.idx.msk [tilespmem:v48+s5+$0x0], $0xffff;
	[tilespmem:s29+$0x11B80] =	vst v15  }
0x222: {  	v55 =	vadd.s32 $0x738, v3;
	v16 =	vld.idx.msk [tilespmem:v50+s5+$0x0], $0xffff;
	[tilespmem:s30+$0x11B80] =	vst v17  }
0x223: {  	v57 =	vadd.s32 $0x594, v2;
	v8 =	vld.idx.msk [tilespmem:v51+s5+$0x0], $0xffff;
	[tilespmem:s0+$0x11B80] =	vst v10  }
0x224: {  	v58 =	vadd.s32 $0x594, v4;
	v7 =	vld.idx.msk [tilespmem:v52+s5+$0x0], $0xffff;
	[tilespmem:s2+$0x11B80] =	vst v9  }
0x225: {  	v59 =	vadd.s32 $0x594, v5;
	[tilespmem:s26+$0x15800] =	vst v14;
	v60 =	vld.idx.msk [tilespmem:v54+s5+$0x0], $0xffff  }
0x226: {  	[tilespmem:s25+$0x15900] =	vst v53;
	v62 =	vadd.s32 $0x594, v6;
	v15 =	vld.idx.msk [tilespmem:v56+s5+$0x0], $0xffff  }
0x227: {  	v20 =	vadd.s32 $0x5E8, v1;
	v61 =	vld.idx.msk [tilespmem:v55+s5+$0x0], $0xffff;
	[tilespmem:s29+$0x15800] =	vst v16  }
0x228: {  	v27 =	vadd.s32 $0x78C, v3;
	v17 =	vld.idx.msk [tilespmem:v57+s5+$0x0], $0xffff;
	[tilespmem:s30+$0x15800] =	vst v8  }
0x229: {  	v21 =	vadd.s32 $0x5E8, v2;
	v10 =	vld.idx.msk [tilespmem:v58+s5+$0x0], $0xffff;
	[tilespmem:s0+$0x15800] =	vst v7  }
0x22a: {  	v22 =	vadd.s32 $0x5E8, v4;
	v9 =	vld.idx.msk [tilespmem:v59+s5+$0x0], $0xffff;
	[tilespmem:s2+$0x15800] =	vst v60  }
0x22b: {  	v23 =	vadd.s32 $0x5E8, v5;
	[tilespmem:s26+$0x15880] =	vst v15;
	v24 =	vld.idx.msk [tilespmem:v62+s5+$0x0], $0xffff  }
0x22c: {  	v26 =	vadd.s32 $0x5E8, v6;
	[tilespmem:s28+$0x15B00] =	vst v61;
	v15 =	vld.idx.msk [tilespmem:v20+s5+$0x0], $0xffff  }
0x22d: {  	v3 =	vld.idx.msk [tilespmem:v27+s5+$0x0], $0xffff;
	v28 =	vadd.s32 $0x63C, v1;
	[tilespmem:s29+$0x15880] =	vst v17  }
0x22e: {  	v63 =	vadd.s32 $0x63C, v0;
	v8 =	vld.idx.msk [tilespmem:v21+s5+$0x0], $0xffff;
	[tilespmem:s30+$0x15880] =	vst v10  }
0x22f: {  	v29 =	vadd.s32 $0x63C, v2;
	v7 =	vld.idx.msk [tilespmem:v22+s5+$0x0], $0xffff;
	[tilespmem:s0+$0x15880] =	vst v9  }
0x230: {  	v30 =	vadd.s32 $0x63C, v4;
	v11 =	vld.idx.msk [tilespmem:v23+s5+$0x0], $0xffff;
	[tilespmem:s2+$0x15880] =	vst v24  }
0x231: {  	v31 =	vadd.s32 $0x63C, v5;
	[tilespmem:s26+$0x15900] =	vst v15;
	v32 =	vld.idx.msk [tilespmem:v26+s5+$0x0], $0xffff  }
0x232: {  	[tilespmem:s28+$0x15B80] =	vst v3;
	v16 =	vld.idx.msk [tilespmem:v28+s5+$0x0], $0xffff;
	v33 =	vadd.s32 $0x63C, v6  }
0x233: {  	v35 =	vadd.s32 $0x690, v1;
	v25 =	vld.idx.msk [tilespmem:v63+s5+$0x0], $0xffff;
	[tilespmem:s29+$0x15900] =	vst v8  }
0x234: {  	v34 =	vadd.s32 $0x690, v0;
	v10 =	vld.idx.msk [tilespmem:v29+s5+$0x0], $0xffff;
	[tilespmem:s30+$0x15900] =	vst v7  }
0x235: {  	v36 =	vadd.s32 $0x690, v2;
	v9 =	vld.idx.msk [tilespmem:v30+s5+$0x0], $0xffff;
	[tilespmem:s0+$0x15900] =	vst v11  }
0x236: {  	v37 =	vadd.s32 $0x690, v4;
	v12 =	vld.idx.msk [tilespmem:v31+s5+$0x0], $0xffff;
	[tilespmem:s2+$0x15900] =	vst v32  }
0x237: {  	v38 =	vadd.s32 $0x690, v5;
	[tilespmem:s26+$0x15980] =	vst v16;
	v13 =	vld.idx.msk [tilespmem:v33+s5+$0x0], $0xffff  }
0x238: {  	v40 =	vadd.s32 $0x690, v6;
	[tilespmem:s25+$0x15980] =	vst v25;
	v8 =	vld.idx.msk [tilespmem:v35+s5+$0x0], $0xffff  }
0x239: {  	v39 =	vld.idx.msk [tilespmem:v34+s5+$0x0], $0xffff;
	v42 =	vadd.s32 $0x6E4, v1;
	[tilespmem:s29+$0x15980] =	vst v10  }
0x23a: {  	v41 =	vadd.s32 $0x6E4, v0;
	v7 =	vld.idx.msk [tilespmem:v36+s5+$0x0], $0xffff;
	[tilespmem:s30+$0x15980] =	vst v9  }
0x23b: {  	v43 =	vadd.s32 $0x6E4, v2;
	v11 =	vld.idx.msk [tilespmem:v37+s5+$0x0], $0xffff;
	[tilespmem:s0+$0x15980] =	vst v12  }
0x23c: {  	v44 =	vadd.s32 $0x6E4, v4;
	v3 =	vld.idx.msk [tilespmem:v38+s5+$0x0], $0xffff;
	[tilespmem:s2+$0x15980] =	vst v13  }
0x23d: {  	v45 =	vadd.s32 $0x6E4, v5;
	[tilespmem:s26+$0x15A00] =	vst v8;
	v46 =	vld.idx.msk [tilespmem:v40+s5+$0x0], $0xffff  }
0x23e: {  	v48 =	vadd.s32 $0x6E4, v6;
	[tilespmem:s25+$0x15A00] =	vst v39;
	v10 =	vld.idx.msk [tilespmem:v42+s5+$0x0], $0xffff  }
0x23f: {  	v50 =	vadd.s32 $0x738, v1;
	v47 =	vld.idx.msk [tilespmem:v41+s5+$0x0], $0xffff;
	[tilespmem:s29+$0x15A00] =	vst v7  }
0x240: {  	v49 =	vadd.s32 $0x738, v0;
	v9 =	vld.idx.msk [tilespmem:v43+s5+$0x0], $0xffff;
	[tilespmem:s30+$0x15A00] =	vst v11  }
0x241: {  	v51 =	vadd.s32 $0x738, v2;
	v12 =	vld.idx.msk [tilespmem:v44+s5+$0x0], $0xffff;
	[tilespmem:s0+$0x15A00] =	vst v3  }
0x242: {  	v52 =	vadd.s32 $0x738, v4;
	v13 =	vld.idx.msk [tilespmem:v45+s5+$0x0], $0xffff;
	[tilespmem:s2+$0x15A00] =	vst v46  }
0x243: {  	v53 =	vadd.s32 $0x738, v5;
	[tilespmem:s26+$0x15A80] =	vst v10;
	v8 =	vld.idx.msk [tilespmem:v48+s5+$0x0], $0xffff  }
0x244: {  	[tilespmem:s25+$0x15A80] =	vst v47;
	v7 =	vld.idx.msk [tilespmem:v50+s5+$0x0], $0xffff;
	v54 =	vadd.s32 $0x738, v6  }
0x245: {  	v56 =	vadd.s32 $0x78C, v1;
	v15 =	vld.idx.msk [tilespmem:v49+s5+$0x0], $0xffff;
	[tilespmem:s29+$0x15A80] =	vst v9  }
0x246: {  	v55 =	vadd.s32 $0x78C, v0;
	v9 =	vld.idx.msk [tilespmem:v51+s5+$0x0], $0xffff;
	[tilespmem:s30+$0x15A80] =	vst v12  }
0x247: {  	v57 =	vadd.s32 $0x78C, v2;
	v3 =	vld.idx.msk [tilespmem:v52+s5+$0x0], $0xffff;
	[tilespmem:s0+$0x15A80] =	vst v13  }
0x248: {  	v58 =	vadd.s32 $0x78C, v4;
	v59 =	vld.idx.msk [tilespmem:v53+s5+$0x0], $0xffff;
	[tilespmem:s2+$0x15A80] =	vst v8  }
0x249: {  	[tilespmem:s26+$0x15B00] =	vst v7;
	v60 =	vadd.s32 $0x78C, v5;
	v8 =	vld.idx.msk [tilespmem:v54+s5+$0x0], $0xffff  }
0x24a: {  	v61 =	vadd.s32 $0x78C, v6;
	[tilespmem:s25+$0x15B00] =	vst v15;
	v1 =	vld.idx.msk [tilespmem:v56+s5+$0x0], $0xffff  }
0x24b: {  	v0 =	vld.idx.msk [tilespmem:v55+s5+$0x0], $0xffff;
	[tilespmem:s29+$0x15B00] =	vst v9  }
0x24c: {  	v2 =	vld.idx.msk [tilespmem:v57+s5+$0x0], $0xffff;
	[tilespmem:s30+$0x15B00] =	vst v3  }
0x24d: {  	v3 =	vld.idx.msk [tilespmem:v58+s5+$0x0], $0xffff;
	[tilespmem:s0+$0x15B00] =	vst v59  }
0x24e: {  	v62 =	vld.idx.msk [tilespmem:v60+s5+$0x0], $0xffff;
	[tilespmem:s2+$0x15B00] =	vst v8  }
0x24f: {  	s23 =	sadd.s32 $0x1, s23;
	[tilespmem:s26+$0x15B80] =	vst v1;
	v63 =	vld.idx.msk [tilespmem:v61+s5+$0x0], $0xffff  }
0x250: {  	p0 =	sne.s32 s23, $0x8;
	[tilespmem:s25+$0x15B80] =	vst v0  }
.Ltmp5:
0x251: {  	[tilespmem:s29+$0x15B80] =	vst v2;
	(pc) =	sbr.rel @p0 .LBB2_2-.Ltmp5, $4  }
0x252: {  	[tilespmem:s30+$0x15B80] =	vst v3  }
0x253: {  	[tilespmem:s0+$0x15B80] =	vst v62  }
0x254: {  	s31 =	sadd.s32 s9, s24;
	[tilespmem:s2+$0x15B80] =	vst v63  }
0x255: {  	[hbm4b:s31+s15] =	stream.strided.scatter [tilespmem:s20], [sflag:$0x2], $0xC000, s16, s15, $0x38;
	[tilespmem:$0x19800] =	vst v63  }
0x256: {  	s0 =	simm.s32 $0x1  }
0x257: {  	_ =	swait.ge [sflag:s0], $0xC000  }
0x258: {  	[sflag:s0] =	ssyncset.done $0x0  }
0x259: {  	[sflag:s0] =	ssyncadd.s32 $0xFFFF4000  }
0x25a: {  	_ =	swait.ge [sflag:s19], $0xC000  }
0x25b: {  	s2 =	rddreg [dreg:$0x7]  }
0x25c: {  	s31 =	rddreg [dreg:$0x6];
	s2 =	sadd.s32 $0x1, s2  }
0x25d: {  	p0 =	sne.s32 s2, s31  }
.Ltmp6:
0x25e: {  	_ = 	snop;
	(pc) =	sbr.rel @p0 .LBB2_1-.Ltmp6, $3  }
0x25f: {  	_ =	sdelay $0x1  }
0x260: {  	[sflag:s19] =	ssyncset.done $0x0  }
0x261: {  	[sflag:s19] =	ssyncadd.s32 $0xFFFF4000  }
0x262: {  	_ =	sfence.sel $0x180000  }
0x263: {  	[bflag:$0x0] =	sbarrier.arrive $0xFFFF  }
0x264: {  	_ =	strace $0x90000047  }
0x265: {  	s0 =	stileid.u32;
	[bflag:$0x2] =	sbarrier.arrive $0xFFFF  }
0x266: {  	p0 =	sne.s32 s0, $0x0;
	s0 =	rddreg [dreg:$0x3]  }
0x267: {  	s0 =	sadd.s32 @!p0 $0x100000, s0  }
0x268: {  	[sflag:s0] =	ssyncadd.tile.s32 @!p0 $0x1;
	_ =	shalt  }
.Lfunc_end2:
_tile_overlayer_lowered:
.L_overlay_start_2:
0x269: {  	(tag) =	ssettag $0x2  }
0x26a: {  	s0 =	rddreg [dreg:$0x0];
	s2 =	stileid.u32  }
0x26b: {  	s1 =	rddreg [dreg:$0x1];
	p0 =	sne.s32 s2, $0x0  }
0x26c: {  	s3 =	rddreg [dreg:$0x2];
	[bflag:$0x3] =	sbarrier.arrive $0xFFFF;
	s2 =	simm.s32 @!p0 $0x1C05  }
0x26d: {  	[timem:s3], [sflag:s2] =	dma.local @!p0 [hbm:s0], s1  }
0x26e: {  	s0 =	simm.s32 @!p0 $0x5  }
0x26f: {  	_ =	swait.ge @!p0 [sflag:s0], s1  }
0x270: {  	s1 =	ssub.s32 @!p0 $0x0, s1;
	[sflag:s0] =	ssyncset.done @!p0 $0x0  }
0x271: {  	[sflag:s0] =	ssyncadd.s32 @!p0 s1  }
0x272: {  	[bflag:$0x3] =	sbarrier.arrive $0xFFFF  }
0x273: {  	_ =	shalt  }

</sc_bundles>
